<compile_context>
chip_gen: v7x
topology: tpu7x:2x2x1
jax: 0.10.2.dev20260603
libtpu: 0.0.44.dev20260713+nightly
codegen_flags: <defaults>
</compile_context>

<pallas_src>
import functools

import jax
import jax.numpy as jnp
from jax import lax
from jax.experimental import pallas as pl
from jax.experimental.pallas import tpu as pltpu
from jax.experimental.pallas import tpu_sc as plsc


def _build_kernel(B, F, qdim, centroids, chunk, rows_w, rows_ch):
    dim = qdim * chunk
    ch = rows_ch * F
    per_w = rows_w * F
    n_chunks = rows_w // rows_ch
    nbuf = 4
    assert n_chunks % nbuf == 0
    recip_shift = 16
    recip = (1 << recip_shift) // F + 1
    assert all((v * recip) >> recip_shift == v // F for v in range(ch))
    mesh = plsc.VectorSubcoreMesh(core_axis_name="c", subcore_axis_name="s")

    @functools.partial(
        pl.kernel,
        mesh=mesh,
        compiler_params=pltpu.CompilerParams(
            needs_layout_passes=False, use_tc_tiling_on_sc=False),
        out_type=jax.ShapeDtypeStruct((B, F, dim), jnp.float32),
        scratch_types=(
            [pltpu.VMEM((per_w,), jnp.int32)]
            + [pltpu.VMEM((ch, qdim), jnp.int32) for _ in range(nbuf)]
            + [pltpu.VMEM((qdim * centroids * chunk,), jnp.float32)]
            + [pltpu.VMEM((rows_ch, F, dim), jnp.float32) for _ in range(nbuf)]
            + [pltpu.SemaphoreType.DMA for _ in range(2 * nbuf)]
        ),
    )
    def pq_decode(ids_hbm, indexes_hbm, codes_hbm, out_hbm, ids_v, *rest):
        idx_bufs = rest[0:nbuf]
        codes_v = rest[nbuf]
        out_bufs = rest[nbuf + 1:2 * nbuf + 1]
        sg = rest[2 * nbuf + 1:3 * nbuf + 1]
        so = rest[3 * nbuf + 1:4 * nbuf + 1]

        nc = 2
        wid = lax.axis_index("s") * nc + lax.axis_index("c")
        base = wid * per_w
        row_base = wid * rows_w

        pltpu.sync_copy(codes_hbm, codes_v)
        pltpu.sync_copy(ids_hbm.at[pl.ds(base, per_w)], ids_v)

        q_iota = lax.iota(jnp.int32, 16)
        q_bases = [q_iota * (centroids * chunk) + c for c in range(chunk)]
        o_cols = [q_iota * chunk + c for c in range(chunk)]

        def gather_start(i, buf, sem):
            pltpu.async_copy(
                indexes_hbm.at[ids_v.at[pl.ds(i * ch, ch)]], buf, sem)

        def gather_wait(i, buf, sem):
            pltpu.make_async_copy(
                indexes_hbm.at[ids_v.at[pl.ds(i * ch, ch)]], buf, sem).wait()

        def write_start(i, buf, sem):
            pltpu.async_copy(
                buf, out_hbm.at[pl.ds(row_base + i * rows_ch, rows_ch)], sem)

        def write_wait(i, buf, sem):
            pltpu.make_async_copy(
                buf, out_hbm.at[pl.ds(row_base + i * rows_ch, rows_ch)],
                sem).wait()

        for p in range(nbuf - 1):
            gather_start(p, idx_bufs[p], sg[p])

        def chunk_body(j, carry):
            for b in range(nbuf):
                i = j * nbuf + b
                idx_v = idx_bufs[b]
                out_v = out_bufs[b]

                @pl.when(i + nbuf - 1 < n_chunks)
                def _():
                    gather_start(i + nbuf - 1, idx_bufs[(b + nbuf - 1) % nbuf],
                                 sg[(b + nbuf - 1) % nbuf])

                gather_wait(i, idx_v, sg[b])

                @pl.when(i >= nbuf)
                def _():
                    write_wait(i - nbuf, out_v, so[b])

                @plsc.parallel_loop(0, ch, unroll=4)
                def _(v):
                    iv = idx_v[v, :]
                    base4 = iv * chunk
                    r = (v * recip) >> recip_shift
                    f = v - r * F
                    rvec = jnp.full((16,), r, dtype=jnp.int32)
                    fvec = jnp.full((16,), f, dtype=jnp.int32)
                    for c in range(chunk):
                        vals = plsc.load_gather(codes_v, [base4 + q_bases[c]])
                        plsc.store_scatter(
                            out_v, [rvec, fvec, o_cols[c]], vals)

                write_start(i, out_v, so[b])
            return carry

        lax.fori_loop(0, n_chunks // nbuf, chunk_body, 0)
        for p in range(nbuf):
            write_wait(n_chunks - nbuf + p, out_bufs[p], so[p])

    return pq_decode


def kernel(input, indexes, codes):
    shape = input.shape
    qdim, centroids, chunk = codes.shape
    B, F = shape
    flat = input.reshape(-1)
    rows_w = B // 32
    rows_ch = 4
    fn = _build_kernel(B, F, qdim, centroids, chunk, rows_w, rows_ch)
    return fn(flat, indexes, codes.reshape(-1))

# --- scband reference (transcript-rebuilt; emitter-appended) ---
"""Pipeline reference for scband-pqembedding-88072599371945 (READ-ONLY COPY).

The authoritative reference and input builder live on the scoring server;
editing this copy changes nothing except your own understanding.
"""

import jax, jax.numpy as jnp
import numpy as np


def setup_inputs(seed: int = 0) -> dict:
    key = jax.random.key(seed)
    k1, k2, k3 = jax.random.split(key, 3)
    # PQ index table: for each of 1M vectors, 16 sub-quantizer centroid ids in [0, 256)
    indexes = jax.random.randint(k1, (1000000, 16), 0, 256, dtype=jnp.int32)
    # PQ codebooks: [qdim=16, centroids=256, chunk=4]
    codes = jax.random.normal(k2, (16, 256, 4), dtype=jnp.float32)
    # lookup ids: [batch=16384, fields=26], valid ids in [0, vectors)
    inp = jax.random.randint(k3, (16384, 26), 0, 1000000, dtype=jnp.int32)
    return {"input": inp, "indexes": indexes, "codes": codes}


def reference(input, indexes, codes):
    vectors, qdim = indexes.shape
    qdim2, centroids, chunk = codes.shape
    dim = qdim2 * chunk
    # __init__ preprocessing: append pad row/centroid, transpose codes
    pad_indexes = jnp.full((1, qdim), centroids, dtype=indexes.dtype)
    pad_codes = jnp.zeros((qdim2, 1, chunk), dtype=codes.dtype)
    indexes_p = jnp.concatenate([indexes, pad_indexes], axis=0)      # [vectors+1, qdim]
    codes_p = jnp.concatenate([codes, pad_codes], axis=1)            # [qdim, centroids+1, chunk]
    codes_t = jnp.transpose(codes_p, (1, 0, 2))                      # [centroids+1, qdim, chunk]
    # forward
    shape = input.shape
    flat = input.reshape(-1)
    idx = jnp.take(indexes_p, flat, axis=0)                          # gather: [V, qdim]
    V = flat.shape[0]
    idx = jnp.broadcast_to(idx[:, :, None], (V, qdim, chunk)).astype(jnp.int32)
    out = jnp.take_along_axis(codes_t, idx, axis=0)                  # [V, qdim, chunk]
    return out.reshape(shape + (dim,))

if __name__ == "__main__":
    import jax
    _d = setup_inputs()
    print(jax.jit(kernel)(*tuple(_d.values())))

</pallas_src>

<mosaic_0001>
#map = affine_map<(d0, d1) -> (0)>
#map1 = affine_map<(d0, d1) -> (0, 0)>
#map2 = affine_map<(d0, d1) -> (0, 0, 0)>
module attributes {stable_mosaic.version = 14 : i64} {
  func.func @pq_decode(%arg0: i32, %arg1: i32, %arg2: memref<425984xi32, #tpu.memory_space<hbm>>, %arg3: memref<1000000x16xi32, #tpu.memory_space<hbm>>, %arg4: memref<16384xf32, #tpu.memory_space<hbm>>, %arg5: memref<16384x26x64xf32, #tpu.memory_space<hbm>>, %arg6: memref<13312xi32, #tpu.memory_space<vmem>>, %arg7: memref<104x16xi32, #tpu.memory_space<vmem>>, %arg8: memref<104x16xi32, #tpu.memory_space<vmem>>, %arg9: memref<104x16xi32, #tpu.memory_space<vmem>>, %arg10: memref<104x16xi32, #tpu.memory_space<vmem>>, %arg11: memref<16384xf32, #tpu.memory_space<vmem>>, %arg12: memref<4x26x64xf32, #tpu.memory_space<vmem>>, %arg13: memref<4x26x64xf32, #tpu.memory_space<vmem>>, %arg14: memref<4x26x64xf32, #tpu.memory_space<vmem>>, %arg15: memref<4x26x64xf32, #tpu.memory_space<vmem>>, %arg16: memref<!tpu.dma_semaphore, #tpu.memory_space<semaphore_mem>>, %arg17: memref<!tpu.dma_semaphore, #tpu.memory_space<semaphore_mem>>, %arg18: memref<!tpu.dma_semaphore, #tpu.memory_space<semaphore_mem>>, %arg19: memref<!tpu.dma_semaphore, #tpu.memory_space<semaphore_mem>>, %arg20: memref<!tpu.dma_semaphore, #tpu.memory_space<semaphore_mem>>, %arg21: memref<!tpu.dma_semaphore, #tpu.memory_space<semaphore_mem>>, %arg22: memref<!tpu.dma_semaphore, #tpu.memory_space<semaphore_mem>>, %arg23: memref<!tpu.dma_semaphore, #tpu.memory_space<semaphore_mem>>) attributes {dimension_semantics = [#tpu.dimension_semantics<core_parallel>, #tpu.dimension_semantics<subcore_parallel>], iteration_bounds = array<i64: 2, 16>, scalar_prefetch = 0 : i64, scratch_operands = 18 : i64, tpu.core_type = #tpu.core_type<sc_vector_subcore>, window_params = [{transform_indices = #map}, {transform_indices = #map1}, {transform_indices = #map}, {transform_indices = #map2}]} {
    %mul3A = arith.constant 2 : i32
    %mul3A_0 = arith.muli %arg1, %mul3A : i32
    %add3A = arith.addi %mul3A_0, %arg0 : i32
    %mul3A_1 = arith.constant 13312 : i32
    %mul3A_2 = arith.muli %add3A, %mul3A_1 : i32
    %mul3A_3 = arith.constant 512 : i32
    %mul3A_4 = arith.muli %add3A, %mul3A_3 : i32
    "tpu.region"() ({
      %run_scoped3A = tpu.sem_alloc : memref<!tpu.dma_semaphore, #tpu.memory_space<semaphore_mem>>
      tpu.enqueue_dma source(%arg4 : memref<16384xf32, #tpu.memory_space<hbm>>) target(%arg11 : memref<16384xf32, #tpu.memory_space<vmem>>) target_semaphore(%run_scoped3A : memref<!tpu.dma_semaphore, #tpu.memory_space<semaphore_mem>>)
      tpu.wait_dma2 semaphore(%run_scoped3A : memref<!tpu.dma_semaphore, #tpu.memory_space<semaphore_mem>>) src(%arg4 : memref<16384xf32, #tpu.memory_space<hbm>>) dst(%arg11 : memref<16384xf32, #tpu.memory_space<vmem>>)
      tpu.yield
    }) : () -> ()
    "tpu.region"() ({
      %run_scoped3A = tpu.sem_alloc : memref<!tpu.dma_semaphore, #tpu.memory_space<semaphore_mem>>
      %dma_start3A_103 = tpu.memref_slice %arg2[%mul3A_2] : memref<425984xi32, #tpu.memory_space<hbm>> -> memref<13312xi32, #tpu.memory_space<hbm>>
      %dma_start3A_104 = tpu.memref_slice %arg2[%mul3A_2] : memref<425984xi32, #tpu.memory_space<hbm>> -> memref<13312xi32, #tpu.memory_space<hbm>>
      tpu.enqueue_dma source(%dma_start3A_104 : memref<13312xi32, #tpu.memory_space<hbm>>) target(%arg6 : memref<13312xi32, #tpu.memory_space<vmem>>) target_semaphore(%run_scoped3A : memref<!tpu.dma_semaphore, #tpu.memory_space<semaphore_mem>>)
      %dma_wait3A_105 = tpu.memref_slice %arg2[%mul3A_2] : memref<425984xi32, #tpu.memory_space<hbm>> -> memref<13312xi32, #tpu.memory_space<hbm>>
      %dma_wait3A_106 = tpu.memref_slice %arg2[%mul3A_2] : memref<425984xi32, #tpu.memory_space<hbm>> -> memref<13312xi32, #tpu.memory_space<hbm>>
      tpu.wait_dma2 semaphore(%run_scoped3A : memref<!tpu.dma_semaphore, #tpu.memory_space<semaphore_mem>>) src(%dma_wait3A_106 : memref<13312xi32, #tpu.memory_space<hbm>>) dst(%arg6 : memref<13312xi32, #tpu.memory_space<vmem>>)
      tpu.yield
    }) : () -> ()
    %iota3A = tpu.iota {dimensions = array<i32: 0>} : vector<16xi32>
    %mul3A_5 = arith.constant 1024 : i32
    %mul3A_6 = vector.broadcast %mul3A_5 : i32 to vector<16xi32>
    %mul3A_7 = arith.muli %iota3A, %mul3A_6 : vector<16xi32>
    %add3A_8 = arith.constant 0 : i32
    %add3A_9 = vector.broadcast %add3A_8 : i32 to vector<16xi32>
    %add3A_10 = arith.addi %mul3A_7, %add3A_9 : vector<16xi32>
    %mul3A_11 = arith.constant 1024 : i32
    %mul3A_12 = vector.broadcast %mul3A_11 : i32 to vector<16xi32>
    %mul3A_13 = arith.muli %iota3A, %mul3A_12 : vector<16xi32>
    %add3A_14 = arith.constant 1 : i32
    %add3A_15 = vector.broadcast %add3A_14 : i32 to vector<16xi32>
    %add3A_16 = arith.addi %mul3A_13, %add3A_15 : vector<16xi32>
    %mul3A_17 = arith.constant 1024 : i32
    %mul3A_18 = vector.broadcast %mul3A_17 : i32 to vector<16xi32>
    %mul3A_19 = arith.muli %iota3A, %mul3A_18 : vector<16xi32>
    %add3A_20 = arith.constant 2 : i32
    %add3A_21 = vector.broadcast %add3A_20 : i32 to vector<16xi32>
    %add3A_22 = arith.addi %mul3A_19, %add3A_21 : vector<16xi32>
    %mul3A_23 = arith.constant 1024 : i32
    %mul3A_24 = vector.broadcast %mul3A_23 : i32 to vector<16xi32>
    %mul3A_25 = arith.muli %iota3A, %mul3A_24 : vector<16xi32>
    %add3A_26 = arith.constant 3 : i32
    %add3A_27 = vector.broadcast %add3A_26 : i32 to vector<16xi32>
    %add3A_28 = arith.addi %mul3A_25, %add3A_27 : vector<16xi32>
    %mul3A_29 = arith.constant 4 : i32
    %mul3A_30 = vector.broadcast %mul3A_29 : i32 to vector<16xi32>
    %mul3A_31 = arith.muli %iota3A, %mul3A_30 : vector<16xi32>
    %add3A_32 = arith.constant 0 : i32
    %add3A_33 = vector.broadcast %add3A_32 : i32 to vector<16xi32>
    %add3A_34 = arith.addi %mul3A_31, %add3A_33 : vector<16xi32>
    %mul3A_35 = arith.constant 4 : i32
    %mul3A_36 = vector.broadcast %mul3A_35 : i32 to vector<16xi32>
    %mul3A_37 = arith.muli %iota3A, %mul3A_36 : vector<16xi32>
    %add3A_38 = arith.constant 1 : i32
    %add3A_39 = vector.broadcast %add3A_38 : i32 to vector<16xi32>
    %add3A_40 = arith.addi %mul3A_37, %add3A_39 : vector<16xi32>
    %mul3A_41 = arith.constant 4 : i32
    %mul3A_42 = vector.broadcast %mul3A_41 : i32 to vector<16xi32>
    %mul3A_43 = arith.muli %iota3A, %mul3A_42 : vector<16xi32>
    %add3A_44 = arith.constant 2 : i32
    %add3A_45 = vector.broadcast %add3A_44 : i32 to vector<16xi32>
    %add3A_46 = arith.addi %mul3A_43, %add3A_45 : vector<16xi32>
    %mul3A_47 = arith.constant 4 : i32
    %mul3A_48 = vector.broadcast %mul3A_47 : i32 to vector<16xi32>
    %mul3A_49 = arith.muli %iota3A, %mul3A_48 : vector<16xi32>
    %add3A_50 = arith.constant 3 : i32
    %add3A_51 = vector.broadcast %add3A_50 : i32 to vector<16xi32>
    %add3A_52 = arith.addi %mul3A_49, %add3A_51 : vector<16xi32>
    %dma_start3A = arith.constant 0 : i32
    %dma_start3A_53 = tpu.memref_slice %arg6[%dma_start3A] : memref<13312xi32, #tpu.memory_space<vmem>> -> memref<104xi32, #tpu.memory_space<vmem>>
    %dma_start3A_54 = arith.constant 0 : i32
    %dma_start3A_55 = arith.constant 0 : i32
    %dma_start3A_56 = tpu.memref_slice %arg3[%dma_start3A_54, %dma_start3A_55] : memref<1000000x16xi32, #tpu.memory_space<hbm>> -> memref<1000000x16xi32, #tpu.memory_space<hbm>>
    tpu.enqueue_indirect_dma source(%dma_start3A_56 : memref<1000000x16xi32, #tpu.memory_space<hbm>>) target(%arg7 : memref<104x16xi32, #tpu.memory_space<vmem>>) offsets(%dma_start3A_53 : memref<104xi32, #tpu.memory_space<vmem>>) semaphore(%arg16 : memref<!tpu.dma_semaphore, #tpu.memory_space<semaphore_mem>>)
    %dma_start3A_57 = arith.constant 104 : i32
    %dma_start3A_58 = tpu.memref_slice %arg6[%dma_start3A_57] : memref<13312xi32, #tpu.memory_space<vmem>> -> memref<104xi32, #tpu.memory_space<vmem>>
    %dma_start3A_59 = arith.constant 0 : i32
    %dma_start3A_60 = arith.constant 0 : i32
    %dma_start3A_61 = tpu.memref_slice %arg3[%dma_start3A_59, %dma_start3A_60] : memref<1000000x16xi32, #tpu.memory_space<hbm>> -> memref<1000000x16xi32, #tpu.memory_space<hbm>>
    tpu.enqueue_indirect_dma source(%dma_start3A_61 : memref<1000000x16xi32, #tpu.memory_space<hbm>>) target(%arg8 : memref<104x16xi32, #tpu.memory_space<vmem>>) offsets(%dma_start3A_58 : memref<104xi32, #tpu.memory_space<vmem>>) semaphore(%arg17 : memref<!tpu.dma_semaphore, #tpu.memory_space<semaphore_mem>>)
    %dma_start3A_62 = arith.constant 208 : i32
    %dma_start3A_63 = tpu.memref_slice %arg6[%dma_start3A_62] : memref<13312xi32, #tpu.memory_space<vmem>> -> memref<104xi32, #tpu.memory_space<vmem>>
    %dma_start3A_64 = arith.constant 0 : i32
    %dma_start3A_65 = arith.constant 0 : i32
    %dma_start3A_66 = tpu.memref_slice %arg3[%dma_start3A_64, %dma_start3A_65] : memref<1000000x16xi32, #tpu.memory_space<hbm>> -> memref<1000000x16xi32, #tpu.memory_space<hbm>>
    tpu.enqueue_indirect_dma source(%dma_start3A_66 : memref<1000000x16xi32, #tpu.memory_space<hbm>>) target(%arg9 : memref<104x16xi32, #tpu.memory_space<vmem>>) offsets(%dma_start3A_63 : memref<104xi32, #tpu.memory_space<vmem>>) semaphore(%arg18 : memref<!tpu.dma_semaphore, #tpu.memory_space<semaphore_mem>>)
    %scan3A = arith.constant 0 : i32
    %scan3A_67 = arith.constant 0 : i32
    %scan3A_68 = arith.constant 32 : i32
    %scan3A_69 = arith.addi %scan3A_67, %scan3A_68 : i32
    %scan3A_70 = arith.constant 1 : i32
    scf.for %scan3A_103 = %scan3A_67 to %scan3A_69 step %scan3A_70  : i32 {
      %mul3A_104 = arith.constant 4 : i32
      %mul3A_105 = arith.muli %scan3A_103, %mul3A_104 : i32
      %add3A_106 = arith.constant 0 : i32
      %add3A_107 = arith.addi %mul3A_105, %add3A_106 : i32
      %add3A_108 = arith.constant 4 : i32
      %add3A_109 = arith.addi %add3A_107, %add3A_108 : i32
      %sub3A = arith.constant 1 : i32
      %sub3A_110 = arith.subi %add3A_109, %sub3A : i32
      %lt3A = arith.constant 128 : i32
      %lt3A_111 = arith.cmpi slt, %sub3A_110, %lt3A : i32
      %convert_element_type3A = arith.extui %lt3A_111 : i1 to i32
      %cond3A = arith.constant 0 : i32
      %cond3A_112 = arith.cmpi ne, %convert_element_type3A, %cond3A : i32
      scf.if %cond3A_112 {
        %add3A_242 = arith.constant 4 : i32
        %add3A_243 = arith.addi %add3A_107, %add3A_242 : i32
        %sub3A_244 = arith.constant 1 : i32
        %sub3A_245 = arith.subi %add3A_243, %sub3A_244 : i32
        %mul3A_246 = arith.constant 104 : i32
        %mul3A_247 = arith.muli %sub3A_245, %mul3A_246 : i32
        %dma_start3A_248 = tpu.memref_slice %arg6[%mul3A_247] : memref<13312xi32, #tpu.memory_space<vmem>> -> memref<104xi32, #tpu.memory_space<vmem>>
        %dma_start3A_249 = arith.constant 0 : i32
        %dma_start3A_250 = arith.constant 0 : i32
        %dma_start3A_251 = tpu.memref_slice %arg3[%dma_start3A_249, %dma_start3A_250] : memref<1000000x16xi32, #tpu.memory_space<hbm>> -> memref<1000000x16xi32, #tpu.memory_space<hbm>>
        tpu.enqueue_indirect_dma source(%dma_start3A_251 : memref<1000000x16xi32, #tpu.memory_space<hbm>>) target(%arg10 : memref<104x16xi32, #tpu.memory_space<vmem>>) offsets(%dma_start3A_248 : memref<104xi32, #tpu.memory_space<vmem>>) semaphore(%arg19 : memref<!tpu.dma_semaphore, #tpu.memory_space<semaphore_mem>>)
      } else {
      }
      %mul3A_113 = arith.constant 104 : i32
      %mul3A_114 = arith.muli %add3A_107, %mul3A_113 : i32
      %dma_wait3A_115 = tpu.memref_slice %arg6[%mul3A_114] : memref<13312xi32, #tpu.memory_space<vmem>> -> memref<104xi32, #tpu.memory_space<vmem>>
      %dma_wait3A_116 = arith.constant 0 : i32
      %dma_wait3A_117 = arith.constant 0 : i32
      %dma_wait3A_118 = tpu.memref_slice %arg3[%dma_wait3A_116, %dma_wait3A_117] : memref<1000000x16xi32, #tpu.memory_space<hbm>> -> memref<1000000x16xi32, #tpu.memory_space<hbm>>
      tpu.wait_indirect_dma semaphore(%arg16 : memref<!tpu.dma_semaphore, #tpu.memory_space<semaphore_mem>>) src(%dma_wait3A_118 : memref<1000000x16xi32, #tpu.memory_space<hbm>>) dst(%arg7 : memref<104x16xi32, #tpu.memory_space<vmem>>)
      %ge3A = arith.constant 4 : i32
      %ge3A_119 = arith.cmpi sge, %add3A_107, %ge3A : i32
      %convert_element_type3A_120 = arith.extui %ge3A_119 : i1 to i32
      %cond3A_121 = arith.constant 0 : i32
      %cond3A_122 = arith.cmpi ne, %convert_element_type3A_120, %cond3A_121 : i32
      scf.if %cond3A_122 {
        %sub3A_242 = arith.constant 4 : i32
        %sub3A_243 = arith.subi %add3A_107, %sub3A_242 : i32
        %mul3A_244 = arith.constant 4 : i32
        %mul3A_245 = arith.muli %sub3A_243, %mul3A_244 : i32
        %add3A_246 = arith.addi %mul3A_4, %mul3A_245 : i32
        %dma_wait3A_247 = arith.constant 0 : i32
        %dma_wait3A_248 = arith.constant 0 : i32
        %dma_wait3A_249 = tpu.memref_slice %arg5[%add3A_246, %dma_wait3A_247, %dma_wait3A_248] : memref<16384x26x64xf32, #tpu.memory_space<hbm>> -> memref<4x26x64xf32, #tpu.memory_space<hbm>>
        %dma_wait3A_250 = arith.constant 0 : i32
        %dma_wait3A_251 = arith.constant 0 : i32
        %dma_wait3A_252 = tpu.memref_slice %arg5[%add3A_246, %dma_wait3A_250, %dma_wait3A_251] : memref<16384x26x64xf32, #tpu.memory_space<hbm>> -> memref<4x26x64xf32, #tpu.memory_space<hbm>>
        tpu.wait_dma2 semaphore(%arg20 : memref<!tpu.dma_semaphore, #tpu.memory_space<semaphore_mem>>) src(%arg12 : memref<4x26x64xf32, #tpu.memory_space<vmem>>) dst(%dma_wait3A_252 : memref<4x26x64xf32, #tpu.memory_space<hbm>>)
      } else {
      }
      %parallel_loop3A = arith.constant 0 : i32
      %parallel_loop3A_123 = arith.constant 104 : i32
      %parallel_loop3A_124 = arith.constant 1 : i32
      scf.for %parallel_loop3A_242 = %parallel_loop3A to %parallel_loop3A_123 step %parallel_loop3A_124  : i32 {
        %parallel_loop3A_243 = arith.index_cast %parallel_loop3A_242 : i32 to index
        %parallel_loop3A_244 = arith.constant 0 : index
        %parallel_loop3A_245 = tpu.vector_load %arg7[%parallel_loop3A_243, %parallel_loop3A_244] {strides = array<i32>} : memref<104x16xi32, #tpu.memory_space<vmem>>, vector<16xi32>,
        %parallel_loop3A_246 = arith.constant 4 : i32
        %parallel_loop3A_247 = vector.broadcast %parallel_loop3A_246 : i32 to vector<16xi32>
        %parallel_loop3A_248 = arith.muli %parallel_loop3A_245, %parallel_loop3A_247 : vector<16xi32>
        %parallel_loop3A_249 = arith.constant 2521 : i32
        %parallel_loop3A_250 = arith.muli %parallel_loop3A_242, %parallel_loop3A_249 : i32
        %parallel_loop3A_251 = arith.constant 16 : i32
        %parallel_loop3A_252 = arith.shrsi %parallel_loop3A_250, %parallel_loop3A_251 : i32
        %parallel_loop3A_253 = arith.constant 26 : i32
        %parallel_loop3A_254 = arith.muli %parallel_loop3A_252, %parallel_loop3A_253 : i32
        %parallel_loop3A_255 = arith.subi %parallel_loop3A_242, %parallel_loop3A_254 : i32
        %parallel_loop3A_256 = vector.broadcast %parallel_loop3A_252 : i32 to vector<16xi32>
        %parallel_loop3A_257 = vector.broadcast %parallel_loop3A_255 : i32 to vector<16xi32>
        %parallel_loop3A_258 = arith.addi %parallel_loop3A_248, %add3A_10 : vector<16xi32>
        %parallel_loop3A_259 = tpu.vector_load_idx %arg11[%parallel_loop3A_258] : memref<16384xf32, #tpu.memory_space<vmem>>[vector<16xi32>], vector<16xf32>,
        tpu.vector_store_idx %arg12[%parallel_loop3A_256, %parallel_loop3A_257, %add3A_34], %parallel_loop3A_259 : memref<4x26x64xf32, #tpu.memory_space<vmem>>[vector<16xi32>, vector<16xi32>, vector<16xi32>], vector<16xf32>,
        %parallel_loop3A_260 = arith.addi %parallel_loop3A_248, %add3A_16 : vector<16xi32>
        %parallel_loop3A_261 = tpu.vector_load_idx %arg11[%parallel_loop3A_260] : memref<16384xf32, #tpu.memory_space<vmem>>[vector<16xi32>], vector<16xf32>,
        tpu.vector_store_idx %arg12[%parallel_loop3A_256, %parallel_loop3A_257, %add3A_40], %parallel_loop3A_261 : memref<4x26x64xf32, #tpu.memory_space<vmem>>[vector<16xi32>, vector<16xi32>, vector<16xi32>], vector<16xf32>,
        %parallel_loop3A_262 = arith.addi %parallel_loop3A_248, %add3A_22 : vector<16xi32>
        %parallel_loop3A_263 = tpu.vector_load_idx %arg11[%parallel_loop3A_262] : memref<16384xf32, #tpu.memory_space<vmem>>[vector<16xi32>], vector<16xf32>,
        tpu.vector_store_idx %arg12[%parallel_loop3A_256, %parallel_loop3A_257, %add3A_46], %parallel_loop3A_263 : memref<4x26x64xf32, #tpu.memory_space<vmem>>[vector<16xi32>, vector<16xi32>, vector<16xi32>], vector<16xf32>,
        %parallel_loop3A_264 = arith.addi %parallel_loop3A_248, %add3A_28 : vector<16xi32>
        %parallel_loop3A_265 = tpu.vector_load_idx %arg11[%parallel_loop3A_264] : memref<16384xf32, #tpu.memory_space<vmem>>[vector<16xi32>], vector<16xf32>,
        tpu.vector_store_idx %arg12[%parallel_loop3A_256, %parallel_loop3A_257, %add3A_52], %parallel_loop3A_265 : memref<4x26x64xf32, #tpu.memory_space<vmem>>[vector<16xi32>, vector<16xi32>, vector<16xi32>], vector<16xf32>,
      } {sc.loop_unroll_factor = 4 : i64, sc.parallel_access}
      %mul3A_125 = arith.constant 4 : i32
      %mul3A_126 = arith.muli %add3A_107, %mul3A_125 : i32
      %add3A_127 = arith.addi %mul3A_4, %mul3A_126 : i32
      %dma_start3A_128 = arith.constant 0 : i32
      %dma_start3A_129 = arith.constant 0 : i32
      %dma_start3A_130 = tpu.memref_slice %arg5[%add3A_127, %dma_start3A_128, %dma_start3A_129] : memref<16384x26x64xf32, #tpu.memory_space<hbm>> -> memref<4x26x64xf32, #tpu.memory_space<hbm>>
      %dma_start3A_131 = arith.constant 0 : i32
      %dma_start3A_132 = arith.constant 0 : i32
      %dma_start3A_133 = tpu.memref_slice %arg5[%add3A_127, %dma_start3A_131, %dma_start3A_132] : memref<16384x26x64xf32, #tpu.memory_space<hbm>> -> memref<4x26x64xf32, #tpu.memory_space<hbm>>
      tpu.enqueue_dma source(%arg12 : memref<4x26x64xf32, #tpu.memory_space<vmem>>) target(%dma_start3A_133 : memref<4x26x64xf32, #tpu.memory_space<hbm>>) target_semaphore(%arg20 : memref<!tpu.dma_semaphore, #tpu.memory_space<semaphore_mem>>)
      %mul3A_134 = arith.constant 4 : i32
      %mul3A_135 = arith.muli %scan3A_103, %mul3A_134 : i32
      %add3A_136 = arith.constant 1 : i32
      %add3A_137 = arith.addi %mul3A_135, %add3A_136 : i32
      %add3A_138 = arith.constant 4 : i32
      %add3A_139 = arith.addi %add3A_137, %add3A_138 : i32
      %sub3A_140 = arith.constant 1 : i32
      %sub3A_141 = arith.subi %add3A_139, %sub3A_140 : i32
      %lt3A_142 = arith.constant 128 : i32
      %lt3A_143 = arith.cmpi slt, %sub3A_141, %lt3A_142 : i32
      %convert_element_type3A_144 = arith.extui %lt3A_143 : i1 to i32
      %cond3A_145 = arith.constant 0 : i32
      %cond3A_146 = arith.cmpi ne, %convert_element_type3A_144, %cond3A_145 : i32
      scf.if %cond3A_146 {
        %add3A_242 = arith.constant 4 : i32
        %add3A_243 = arith.addi %add3A_137, %add3A_242 : i32
        %sub3A_244 = arith.constant 1 : i32
        %sub3A_245 = arith.subi %add3A_243, %sub3A_244 : i32
        %mul3A_246 = arith.constant 104 : i32
        %mul3A_247 = arith.muli %sub3A_245, %mul3A_246 : i32
        %dma_start3A_248 = tpu.memref_slice %arg6[%mul3A_247] : memref<13312xi32, #tpu.memory_space<vmem>> -> memref<104xi32, #tpu.memory_space<vmem>>
        %dma_start3A_249 = arith.constant 0 : i32
        %dma_start3A_250 = arith.constant 0 : i32
        %dma_start3A_251 = tpu.memref_slice %arg3[%dma_start3A_249, %dma_start3A_250] : memref<1000000x16xi32, #tpu.memory_space<hbm>> -> memref<1000000x16xi32, #tpu.memory_space<hbm>>
        tpu.enqueue_indirect_dma source(%dma_start3A_251 : memref<1000000x16xi32, #tpu.memory_space<hbm>>) target(%arg7 : memref<104x16xi32, #tpu.memory_space<vmem>>) offsets(%dma_start3A_248 : memref<104xi32, #tpu.memory_space<vmem>>) semaphore(%arg16 : memref<!tpu.dma_semaphore, #tpu.memory_space<semaphore_mem>>)
      } else {
      }
      %mul3A_147 = arith.constant 104 : i32
      %mul3A_148 = arith.muli %add3A_137, %mul3A_147 : i32
      %dma_wait3A_149 = tpu.memref_slice %arg6[%mul3A_148] : memref<13312xi32, #tpu.memory_space<vmem>> -> memref<104xi32, #tpu.memory_space<vmem>>
      %dma_wait3A_150 = arith.constant 0 : i32
      %dma_wait3A_151 = arith.constant 0 : i32
      %dma_wait3A_152 = tpu.memref_slice %arg3[%dma_wait3A_150, %dma_wait3A_151] : memref<1000000x16xi32, #tpu.memory_space<hbm>> -> memref<1000000x16xi32, #tpu.memory_space<hbm>>
      tpu.wait_indirect_dma semaphore(%arg17 : memref<!tpu.dma_semaphore, #tpu.memory_space<semaphore_mem>>) src(%dma_wait3A_152 : memref<1000000x16xi32, #tpu.memory_space<hbm>>) dst(%arg8 : memref<104x16xi32, #tpu.memory_space<vmem>>)
      %ge3A_153 = arith.constant 4 : i32
      %ge3A_154 = arith.cmpi sge, %add3A_137, %ge3A_153 : i32
      %convert_element_type3A_155 = arith.extui %ge3A_154 : i1 to i32
      %cond3A_156 = arith.constant 0 : i32
      %cond3A_157 = arith.cmpi ne, %convert_element_type3A_155, %cond3A_156 : i32
      scf.if %cond3A_157 {
        %sub3A_242 = arith.constant 4 : i32
        %sub3A_243 = arith.subi %add3A_137, %sub3A_242 : i32
        %mul3A_244 = arith.constant 4 : i32
        %mul3A_245 = arith.muli %sub3A_243, %mul3A_244 : i32
        %add3A_246 = arith.addi %mul3A_4, %mul3A_245 : i32
        %dma_wait3A_247 = arith.constant 0 : i32
        %dma_wait3A_248 = arith.constant 0 : i32
        %dma_wait3A_249 = tpu.memref_slice %arg5[%add3A_246, %dma_wait3A_247, %dma_wait3A_248] : memref<16384x26x64xf32, #tpu.memory_space<hbm>> -> memref<4x26x64xf32, #tpu.memory_space<hbm>>
        %dma_wait3A_250 = arith.constant 0 : i32
        %dma_wait3A_251 = arith.constant 0 : i32
        %dma_wait3A_252 = tpu.memref_slice %arg5[%add3A_246, %dma_wait3A_250, %dma_wait3A_251] : memref<16384x26x64xf32, #tpu.memory_space<hbm>> -> memref<4x26x64xf32, #tpu.memory_space<hbm>>
        tpu.wait_dma2 semaphore(%arg21 : memref<!tpu.dma_semaphore, #tpu.memory_space<semaphore_mem>>) src(%arg13 : memref<4x26x64xf32, #tpu.memory_space<vmem>>) dst(%dma_wait3A_252 : memref<4x26x64xf32, #tpu.memory_space<hbm>>)
      } else {
      }
      %parallel_loop3A_158 = arith.constant 0 : i32
      %parallel_loop3A_159 = arith.constant 104 : i32
      %parallel_loop3A_160 = arith.constant 1 : i32
      scf.for %parallel_loop3A_242 = %parallel_loop3A_158 to %parallel_loop3A_159 step %parallel_loop3A_160  : i32 {
        %parallel_loop3A_243 = arith.index_cast %parallel_loop3A_242 : i32 to index
        %parallel_loop3A_244 = arith.constant 0 : index
        %parallel_loop3A_245 = tpu.vector_load %arg8[%parallel_loop3A_243, %parallel_loop3A_244] {strides = array<i32>} : memref<104x16xi32, #tpu.memory_space<vmem>>, vector<16xi32>,
        %parallel_loop3A_246 = arith.constant 4 : i32
        %parallel_loop3A_247 = vector.broadcast %parallel_loop3A_246 : i32 to vector<16xi32>
        %parallel_loop3A_248 = arith.muli %parallel_loop3A_245, %parallel_loop3A_247 : vector<16xi32>
        %parallel_loop3A_249 = arith.constant 2521 : i32
        %parallel_loop3A_250 = arith.muli %parallel_loop3A_242, %parallel_loop3A_249 : i32
        %parallel_loop3A_251 = arith.constant 16 : i32
        %parallel_loop3A_252 = arith.shrsi %parallel_loop3A_250, %parallel_loop3A_251 : i32
        %parallel_loop3A_253 = arith.constant 26 : i32
        %parallel_loop3A_254 = arith.muli %parallel_loop3A_252, %parallel_loop3A_253 : i32
        %parallel_loop3A_255 = arith.subi %parallel_loop3A_242, %parallel_loop3A_254 : i32
        %parallel_loop3A_256 = vector.broadcast %parallel_loop3A_252 : i32 to vector<16xi32>
        %parallel_loop3A_257 = vector.broadcast %parallel_loop3A_255 : i32 to vector<16xi32>
        %parallel_loop3A_258 = arith.addi %parallel_loop3A_248, %add3A_10 : vector<16xi32>
        %parallel_loop3A_259 = tpu.vector_load_idx %arg11[%parallel_loop3A_258] : memref<16384xf32, #tpu.memory_space<vmem>>[vector<16xi32>], vector<16xf32>,
        tpu.vector_store_idx %arg13[%parallel_loop3A_256, %parallel_loop3A_257, %add3A_34], %parallel_loop3A_259 : memref<4x26x64xf32, #tpu.memory_space<vmem>>[vector<16xi32>, vector<16xi32>, vector<16xi32>], vector<16xf32>,
        %parallel_loop3A_260 = arith.addi %parallel_loop3A_248, %add3A_16 : vector<16xi32>
        %parallel_loop3A_261 = tpu.vector_load_idx %arg11[%parallel_loop3A_260] : memref<16384xf32, #tpu.memory_space<vmem>>[vector<16xi32>], vector<16xf32>,
        tpu.vector_store_idx %arg13[%parallel_loop3A_256, %parallel_loop3A_257, %add3A_40], %parallel_loop3A_261 : memref<4x26x64xf32, #tpu.memory_space<vmem>>[vector<16xi32>, vector<16xi32>, vector<16xi32>], vector<16xf32>,
        %parallel_loop3A_262 = arith.addi %parallel_loop3A_248, %add3A_22 : vector<16xi32>
        %parallel_loop3A_263 = tpu.vector_load_idx %arg11[%parallel_loop3A_262] : memref<16384xf32, #tpu.memory_space<vmem>>[vector<16xi32>], vector<16xf32>,
        tpu.vector_store_idx %arg13[%parallel_loop3A_256, %parallel_loop3A_257, %add3A_46], %parallel_loop3A_263 : memref<4x26x64xf32, #tpu.memory_space<vmem>>[vector<16xi32>, vector<16xi32>, vector<16xi32>], vector<16xf32>,
        %parallel_loop3A_264 = arith.addi %parallel_loop3A_248, %add3A_28 : vector<16xi32>
        %parallel_loop3A_265 = tpu.vector_load_idx %arg11[%parallel_loop3A_264] : memref<16384xf32, #tpu.memory_space<vmem>>[vector<16xi32>], vector<16xf32>,
        tpu.vector_store_idx %arg13[%parallel_loop3A_256, %parallel_loop3A_257, %add3A_52], %parallel_loop3A_265 : memref<4x26x64xf32, #tpu.memory_space<vmem>>[vector<16xi32>, vector<16xi32>, vector<16xi32>], vector<16xf32>,
      } {sc.loop_unroll_factor = 4 : i64, sc.parallel_access}
      %mul3A_161 = arith.constant 4 : i32
      %mul3A_162 = arith.muli %add3A_137, %mul3A_161 : i32
      %add3A_163 = arith.addi %mul3A_4, %mul3A_162 : i32
      %dma_start3A_164 = arith.constant 0 : i32
      %dma_start3A_165 = arith.constant 0 : i32
      %dma_start3A_166 = tpu.memref_slice %arg5[%add3A_163, %dma_start3A_164, %dma_start3A_165] : memref<16384x26x64xf32, #tpu.memory_space<hbm>> -> memref<4x26x64xf32, #tpu.memory_space<hbm>>
      %dma_start3A_167 = arith.constant 0 : i32
      %dma_start3A_168 = arith.constant 0 : i32
      %dma_start3A_169 = tpu.memref_slice %arg5[%add3A_163, %dma_start3A_167, %dma_start3A_168] : memref<16384x26x64xf32, #tpu.memory_space<hbm>> -> memref<4x26x64xf32, #tpu.memory_space<hbm>>
      tpu.enqueue_dma source(%arg13 : memref<4x26x64xf32, #tpu.memory_space<vmem>>) target(%dma_start3A_169 : memref<4x26x64xf32, #tpu.memory_space<hbm>>) target_semaphore(%arg21 : memref<!tpu.dma_semaphore, #tpu.memory_space<semaphore_mem>>)
      %mul3A_170 = arith.constant 4 : i32
      %mul3A_171 = arith.muli %scan3A_103, %mul3A_170 : i32
      %add3A_172 = arith.constant 2 : i32
      %add3A_173 = arith.addi %mul3A_171, %add3A_172 : i32
      %add3A_174 = arith.constant 4 : i32
      %add3A_175 = arith.addi %add3A_173, %add3A_174 : i32
      %sub3A_176 = arith.constant 1 : i32
      %sub3A_177 = arith.subi %add3A_175, %sub3A_176 : i32
      %lt3A_178 = arith.constant 128 : i32
      %lt3A_179 = arith.cmpi slt, %sub3A_177, %lt3A_178 : i32
      %convert_element_type3A_180 = arith.extui %lt3A_179 : i1 to i32
      %cond3A_181 = arith.constant 0 : i32
      %cond3A_182 = arith.cmpi ne, %convert_element_type3A_180, %cond3A_181 : i32
      scf.if %cond3A_182 {
        %add3A_242 = arith.constant 4 : i32
        %add3A_243 = arith.addi %add3A_173, %add3A_242 : i32
        %sub3A_244 = arith.constant 1 : i32
        %sub3A_245 = arith.subi %add3A_243, %sub3A_244 : i32
        %mul3A_246 = arith.constant 104 : i32
        %mul3A_247 = arith.muli %sub3A_245, %mul3A_246 : i32
        %dma_start3A_248 = tpu.memref_slice %arg6[%mul3A_247] : memref<13312xi32, #tpu.memory_space<vmem>> -> memref<104xi32, #tpu.memory_space<vmem>>
        %dma_start3A_249 = arith.constant 0 : i32
        %dma_start3A_250 = arith.constant 0 : i32
        %dma_start3A_251 = tpu.memref_slice %arg3[%dma_start3A_249, %dma_start3A_250] : memref<1000000x16xi32, #tpu.memory_space<hbm>> -> memref<1000000x16xi32, #tpu.memory_space<hbm>>
        tpu.enqueue_indirect_dma source(%dma_start3A_251 : memref<1000000x16xi32, #tpu.memory_space<hbm>>) target(%arg8 : memref<104x16xi32, #tpu.memory_space<vmem>>) offsets(%dma_start3A_248 : memref<104xi32, #tpu.memory_space<vmem>>) semaphore(%arg17 : memref<!tpu.dma_semaphore, #tpu.memory_space<semaphore_mem>>)
      } else {
      }
      %mul3A_183 = arith.constant 104 : i32
      %mul3A_184 = arith.muli %add3A_173, %mul3A_183 : i32
      %dma_wait3A_185 = tpu.memref_slice %arg6[%mul3A_184] : memref<13312xi32, #tpu.memory_space<vmem>> -> memref<104xi32, #tpu.memory_space<vmem>>
      %dma_wait3A_186 = arith.constant 0 : i32
      %dma_wait3A_187 = arith.constant 0 : i32
      %dma_wait3A_188 = tpu.memref_slice %arg3[%dma_wait3A_186, %dma_wait3A_187] : memref<1000000x16xi32, #tpu.memory_space<hbm>> -> memref<1000000x16xi32, #tpu.memory_space<hbm>>
      tpu.wait_indirect_dma semaphore(%arg18 : memref<!tpu.dma_semaphore, #tpu.memory_space<semaphore_mem>>) src(%dma_wait3A_188 : memref<1000000x16xi32, #tpu.memory_space<hbm>>) dst(%arg9 : memref<104x16xi32, #tpu.memory_space<vmem>>)
      %ge3A_189 = arith.constant 4 : i32
      %ge3A_190 = arith.cmpi sge, %add3A_173, %ge3A_189 : i32
      %convert_element_type3A_191 = arith.extui %ge3A_190 : i1 to i32
      %cond3A_192 = arith.constant 0 : i32
      %cond3A_193 = arith.cmpi ne, %convert_element_type3A_191, %cond3A_192 : i32
      scf.if %cond3A_193 {
        %sub3A_242 = arith.constant 4 : i32
        %sub3A_243 = arith.subi %add3A_173, %sub3A_242 : i32
        %mul3A_244 = arith.constant 4 : i32
        %mul3A_245 = arith.muli %sub3A_243, %mul3A_244 : i32
        %add3A_246 = arith.addi %mul3A_4, %mul3A_245 : i32
        %dma_wait3A_247 = arith.constant 0 : i32
        %dma_wait3A_248 = arith.constant 0 : i32
        %dma_wait3A_249 = tpu.memref_slice %arg5[%add3A_246, %dma_wait3A_247, %dma_wait3A_248] : memref<16384x26x64xf32, #tpu.memory_space<hbm>> -> memref<4x26x64xf32, #tpu.memory_space<hbm>>
        %dma_wait3A_250 = arith.constant 0 : i32
        %dma_wait3A_251 = arith.constant 0 : i32
        %dma_wait3A_252 = tpu.memref_slice %arg5[%add3A_246, %dma_wait3A_250, %dma_wait3A_251] : memref<16384x26x64xf32, #tpu.memory_space<hbm>> -> memref<4x26x64xf32, #tpu.memory_space<hbm>>
        tpu.wait_dma2 semaphore(%arg22 : memref<!tpu.dma_semaphore, #tpu.memory_space<semaphore_mem>>) src(%arg14 : memref<4x26x64xf32, #tpu.memory_space<vmem>>) dst(%dma_wait3A_252 : memref<4x26x64xf32, #tpu.memory_space<hbm>>)
      } else {
      }
      %parallel_loop3A_194 = arith.constant 0 : i32
      %parallel_loop3A_195 = arith.constant 104 : i32
      %parallel_loop3A_196 = arith.constant 1 : i32
      scf.for %parallel_loop3A_242 = %parallel_loop3A_194 to %parallel_loop3A_195 step %parallel_loop3A_196  : i32 {
        %parallel_loop3A_243 = arith.index_cast %parallel_loop3A_242 : i32 to index
        %parallel_loop3A_244 = arith.constant 0 : index
        %parallel_loop3A_245 = tpu.vector_load %arg9[%parallel_loop3A_243, %parallel_loop3A_244] {strides = array<i32>} : memref<104x16xi32, #tpu.memory_space<vmem>>, vector<16xi32>,
        %parallel_loop3A_246 = arith.constant 4 : i32
        %parallel_loop3A_247 = vector.broadcast %parallel_loop3A_246 : i32 to vector<16xi32>
        %parallel_loop3A_248 = arith.muli %parallel_loop3A_245, %parallel_loop3A_247 : vector<16xi32>
        %parallel_loop3A_249 = arith.constant 2521 : i32
        %parallel_loop3A_250 = arith.muli %parallel_loop3A_242, %parallel_loop3A_249 : i32
        %parallel_loop3A_251 = arith.constant 16 : i32
        %parallel_loop3A_252 = arith.shrsi %parallel_loop3A_250, %parallel_loop3A_251 : i32
        %parallel_loop3A_253 = arith.constant 26 : i32
        %parallel_loop3A_254 = arith.muli %parallel_loop3A_252, %parallel_loop3A_253 : i32
        %parallel_loop3A_255 = arith.subi %parallel_loop3A_242, %parallel_loop3A_254 : i32
        %parallel_loop3A_256 = vector.broadcast %parallel_loop3A_252 : i32 to vector<16xi32>
        %parallel_loop3A_257 = vector.broadcast %parallel_loop3A_255 : i32 to vector<16xi32>
        %parallel_loop3A_258 = arith.addi %parallel_loop3A_248, %add3A_10 : vector<16xi32>
        %parallel_loop3A_259 = tpu.vector_load_idx %arg11[%parallel_loop3A_258] : memref<16384xf32, #tpu.memory_space<vmem>>[vector<16xi32>], vector<16xf32>,
        tpu.vector_store_idx %arg14[%parallel_loop3A_256, %parallel_loop3A_257, %add3A_34], %parallel_loop3A_259 : memref<4x26x64xf32, #tpu.memory_space<vmem>>[vector<16xi32>, vector<16xi32>, vector<16xi32>], vector<16xf32>,
        %parallel_loop3A_260 = arith.addi %parallel_loop3A_248, %add3A_16 : vector<16xi32>
        %parallel_loop3A_261 = tpu.vector_load_idx %arg11[%parallel_loop3A_260] : memref<16384xf32, #tpu.memory_space<vmem>>[vector<16xi32>], vector<16xf32>,
        tpu.vector_store_idx %arg14[%parallel_loop3A_256, %parallel_loop3A_257, %add3A_40], %parallel_loop3A_261 : memref<4x26x64xf32, #tpu.memory_space<vmem>>[vector<16xi32>, vector<16xi32>, vector<16xi32>], vector<16xf32>,
        %parallel_loop3A_262 = arith.addi %parallel_loop3A_248, %add3A_22 : vector<16xi32>
        %parallel_loop3A_263 = tpu.vector_load_idx %arg11[%parallel_loop3A_262] : memref<16384xf32, #tpu.memory_space<vmem>>[vector<16xi32>], vector<16xf32>,
        tpu.vector_store_idx %arg14[%parallel_loop3A_256, %parallel_loop3A_257, %add3A_46], %parallel_loop3A_263 : memref<4x26x64xf32, #tpu.memory_space<vmem>>[vector<16xi32>, vector<16xi32>, vector<16xi32>], vector<16xf32>,
        %parallel_loop3A_264 = arith.addi %parallel_loop3A_248, %add3A_28 : vector<16xi32>
        %parallel_loop3A_265 = tpu.vector_load_idx %arg11[%parallel_loop3A_264] : memref<16384xf32, #tpu.memory_space<vmem>>[vector<16xi32>], vector<16xf32>,
        tpu.vector_store_idx %arg14[%parallel_loop3A_256, %parallel_loop3A_257, %add3A_52], %parallel_loop3A_265 : memref<4x26x64xf32, #tpu.memory_space<vmem>>[vector<16xi32>, vector<16xi32>, vector<16xi32>], vector<16xf32>,
      } {sc.loop_unroll_factor = 4 : i64, sc.parallel_access}
      %mul3A_197 = arith.constant 4 : i32
      %mul3A_198 = arith.muli %add3A_173, %mul3A_197 : i32
      %add3A_199 = arith.addi %mul3A_4, %mul3A_198 : i32
      %dma_start3A_200 = arith.constant 0 : i32
      %dma_start3A_201 = arith.constant 0 : i32
      %dma_start3A_202 = tpu.memref_slice %arg5[%add3A_199, %dma_start3A_200, %dma_start3A_201] : memref<16384x26x64xf32, #tpu.memory_space<hbm>> -> memref<4x26x64xf32, #tpu.memory_space<hbm>>
      %dma_start3A_203 = arith.constant 0 : i32
      %dma_start3A_204 = arith.constant 0 : i32
      %dma_start3A_205 = tpu.memref_slice %arg5[%add3A_199, %dma_start3A_203, %dma_start3A_204] : memref<16384x26x64xf32, #tpu.memory_space<hbm>> -> memref<4x26x64xf32, #tpu.memory_space<hbm>>
      tpu.enqueue_dma source(%arg14 : memref<4x26x64xf32, #tpu.memory_space<vmem>>) target(%dma_start3A_205 : memref<4x26x64xf32, #tpu.memory_space<hbm>>) target_semaphore(%arg22 : memref<!tpu.dma_semaphore, #tpu.memory_space<semaphore_mem>>)
      %mul3A_206 = arith.constant 4 : i32
      %mul3A_207 = arith.muli %scan3A_103, %mul3A_206 : i32
      %add3A_208 = arith.constant 3 : i32
      %add3A_209 = arith.addi %mul3A_207, %add3A_208 : i32
      %add3A_210 = arith.constant 4 : i32
      %add3A_211 = arith.addi %add3A_209, %add3A_210 : i32
      %sub3A_212 = arith.constant 1 : i32
      %sub3A_213 = arith.subi %add3A_211, %sub3A_212 : i32
      %lt3A_214 = arith.constant 128 : i32
      %lt3A_215 = arith.cmpi slt, %sub3A_213, %lt3A_214 : i32
      %convert_element_type3A_216 = arith.extui %lt3A_215 : i1 to i32
      %cond3A_217 = arith.constant 0 : i32
      %cond3A_218 = arith.cmpi ne, %convert_element_type3A_216, %cond3A_217 : i32
      scf.if %cond3A_218 {
        %add3A_242 = arith.constant 4 : i32
        %add3A_243 = arith.addi %add3A_209, %add3A_242 : i32
        %sub3A_244 = arith.constant 1 : i32
        %sub3A_245 = arith.subi %add3A_243, %sub3A_244 : i32
        %mul3A_246 = arith.constant 104 : i32
        %mul3A_247 = arith.muli %sub3A_245, %mul3A_246 : i32
        %dma_start3A_248 = tpu.memref_slice %arg6[%mul3A_247] : memref<13312xi32, #tpu.memory_space<vmem>> -> memref<104xi32, #tpu.memory_space<vmem>>
        %dma_start3A_249 = arith.constant 0 : i32
        %dma_start3A_250 = arith.constant 0 : i32
        %dma_start3A_251 = tpu.memref_slice %arg3[%dma_start3A_249, %dma_start3A_250] : memref<1000000x16xi32, #tpu.memory_space<hbm>> -> memref<1000000x16xi32, #tpu.memory_space<hbm>>
        tpu.enqueue_indirect_dma source(%dma_start3A_251 : memref<1000000x16xi32, #tpu.memory_space<hbm>>) target(%arg9 : memref<104x16xi32, #tpu.memory_space<vmem>>) offsets(%dma_start3A_248 : memref<104xi32, #tpu.memory_space<vmem>>) semaphore(%arg18 : memref<!tpu.dma_semaphore, #tpu.memory_space<semaphore_mem>>)
      } else {
      }
      %mul3A_219 = arith.constant 104 : i32
      %mul3A_220 = arith.muli %add3A_209, %mul3A_219 : i32
      %dma_wait3A_221 = tpu.memref_slice %arg6[%mul3A_220] : memref<13312xi32, #tpu.memory_space<vmem>> -> memref<104xi32, #tpu.memory_space<vmem>>
      %dma_wait3A_222 = arith.constant 0 : i32
      %dma_wait3A_223 = arith.constant 0 : i32
      %dma_wait3A_224 = tpu.memref_slice %arg3[%dma_wait3A_222, %dma_wait3A_223] : memref<1000000x16xi32, #tpu.memory_space<hbm>> -> memref<1000000x16xi32, #tpu.memory_space<hbm>>
      tpu.wait_indirect_dma semaphore(%arg19 : memref<!tpu.dma_semaphore, #tpu.memory_space<semaphore_mem>>) src(%dma_wait3A_224 : memref<1000000x16xi32, #tpu.memory_space<hbm>>) dst(%arg10 : memref<104x16xi32, #tpu.memory_space<vmem>>)
      %ge3A_225 = arith.constant 4 : i32
      %ge3A_226 = arith.cmpi sge, %add3A_209, %ge3A_225 : i32
      %convert_element_type3A_227 = arith.extui %ge3A_226 : i1 to i32
      %cond3A_228 = arith.constant 0 : i32
      %cond3A_229 = arith.cmpi ne, %convert_element_type3A_227, %cond3A_228 : i32
      scf.if %cond3A_229 {
        %sub3A_242 = arith.constant 4 : i32
        %sub3A_243 = arith.subi %add3A_209, %sub3A_242 : i32
        %mul3A_244 = arith.constant 4 : i32
        %mul3A_245 = arith.muli %sub3A_243, %mul3A_244 : i32
        %add3A_246 = arith.addi %mul3A_4, %mul3A_245 : i32
        %dma_wait3A_247 = arith.constant 0 : i32
        %dma_wait3A_248 = arith.constant 0 : i32
        %dma_wait3A_249 = tpu.memref_slice %arg5[%add3A_246, %dma_wait3A_247, %dma_wait3A_248] : memref<16384x26x64xf32, #tpu.memory_space<hbm>> -> memref<4x26x64xf32, #tpu.memory_space<hbm>>
        %dma_wait3A_250 = arith.constant 0 : i32
        %dma_wait3A_251 = arith.constant 0 : i32
        %dma_wait3A_252 = tpu.memref_slice %arg5[%add3A_246, %dma_wait3A_250, %dma_wait3A_251] : memref<16384x26x64xf32, #tpu.memory_space<hbm>> -> memref<4x26x64xf32, #tpu.memory_space<hbm>>
        tpu.wait_dma2 semaphore(%arg23 : memref<!tpu.dma_semaphore, #tpu.memory_space<semaphore_mem>>) src(%arg15 : memref<4x26x64xf32, #tpu.memory_space<vmem>>) dst(%dma_wait3A_252 : memref<4x26x64xf32, #tpu.memory_space<hbm>>)
      } else {
      }
      %parallel_loop3A_230 = arith.constant 0 : i32
      %parallel_loop3A_231 = arith.constant 104 : i32
      %parallel_loop3A_232 = arith.constant 1 : i32
      scf.for %parallel_loop3A_242 = %parallel_loop3A_230 to %parallel_loop3A_231 step %parallel_loop3A_232  : i32 {
        %parallel_loop3A_243 = arith.index_cast %parallel_loop3A_242 : i32 to index
        %parallel_loop3A_244 = arith.constant 0 : index
        %parallel_loop3A_245 = tpu.vector_load %arg10[%parallel_loop3A_243, %parallel_loop3A_244] {strides = array<i32>} : memref<104x16xi32, #tpu.memory_space<vmem>>, vector<16xi32>,
        %parallel_loop3A_246 = arith.constant 4 : i32
        %parallel_loop3A_247 = vector.broadcast %parallel_loop3A_246 : i32 to vector<16xi32>
        %parallel_loop3A_248 = arith.muli %parallel_loop3A_245, %parallel_loop3A_247 : vector<16xi32>
        %parallel_loop3A_249 = arith.constant 2521 : i32
        %parallel_loop3A_250 = arith.muli %parallel_loop3A_242, %parallel_loop3A_249 : i32
        %parallel_loop3A_251 = arith.constant 16 : i32
        %parallel_loop3A_252 = arith.shrsi %parallel_loop3A_250, %parallel_loop3A_251 : i32
        %parallel_loop3A_253 = arith.constant 26 : i32
        %parallel_loop3A_254 = arith.muli %parallel_loop3A_252, %parallel_loop3A_253 : i32
        %parallel_loop3A_255 = arith.subi %parallel_loop3A_242, %parallel_loop3A_254 : i32
        %parallel_loop3A_256 = vector.broadcast %parallel_loop3A_252 : i32 to vector<16xi32>
        %parallel_loop3A_257 = vector.broadcast %parallel_loop3A_255 : i32 to vector<16xi32>
        %parallel_loop3A_258 = arith.addi %parallel_loop3A_248, %add3A_10 : vector<16xi32>
        %parallel_loop3A_259 = tpu.vector_load_idx %arg11[%parallel_loop3A_258] : memref<16384xf32, #tpu.memory_space<vmem>>[vector<16xi32>], vector<16xf32>,
        tpu.vector_store_idx %arg15[%parallel_loop3A_256, %parallel_loop3A_257, %add3A_34], %parallel_loop3A_259 : memref<4x26x64xf32, #tpu.memory_space<vmem>>[vector<16xi32>, vector<16xi32>, vector<16xi32>], vector<16xf32>,
        %parallel_loop3A_260 = arith.addi %parallel_loop3A_248, %add3A_16 : vector<16xi32>
        %parallel_loop3A_261 = tpu.vector_load_idx %arg11[%parallel_loop3A_260] : memref<16384xf32, #tpu.memory_space<vmem>>[vector<16xi32>], vector<16xf32>,
        tpu.vector_store_idx %arg15[%parallel_loop3A_256, %parallel_loop3A_257, %add3A_40], %parallel_loop3A_261 : memref<4x26x64xf32, #tpu.memory_space<vmem>>[vector<16xi32>, vector<16xi32>, vector<16xi32>], vector<16xf32>,
        %parallel_loop3A_262 = arith.addi %parallel_loop3A_248, %add3A_22 : vector<16xi32>
        %parallel_loop3A_263 = tpu.vector_load_idx %arg11[%parallel_loop3A_262] : memref<16384xf32, #tpu.memory_space<vmem>>[vector<16xi32>], vector<16xf32>,
        tpu.vector_store_idx %arg15[%parallel_loop3A_256, %parallel_loop3A_257, %add3A_46], %parallel_loop3A_263 : memref<4x26x64xf32, #tpu.memory_space<vmem>>[vector<16xi32>, vector<16xi32>, vector<16xi32>], vector<16xf32>,
        %parallel_loop3A_264 = arith.addi %parallel_loop3A_248, %add3A_28 : vector<16xi32>
        %parallel_loop3A_265 = tpu.vector_load_idx %arg11[%parallel_loop3A_264] : memref<16384xf32, #tpu.memory_space<vmem>>[vector<16xi32>], vector<16xf32>,
        tpu.vector_store_idx %arg15[%parallel_loop3A_256, %parallel_loop3A_257, %add3A_52], %parallel_loop3A_265 : memref<4x26x64xf32, #tpu.memory_space<vmem>>[vector<16xi32>, vector<16xi32>, vector<16xi32>], vector<16xf32>,
      } {sc.loop_unroll_factor = 4 : i64, sc.parallel_access}
      %mul3A_233 = arith.constant 4 : i32
      %mul3A_234 = arith.muli %add3A_209, %mul3A_233 : i32
      %add3A_235 = arith.addi %mul3A_4, %mul3A_234 : i32
      %dma_start3A_236 = arith.constant 0 : i32
      %dma_start3A_237 = arith.constant 0 : i32
      %dma_start3A_238 = tpu.memref_slice %arg5[%add3A_235, %dma_start3A_236, %dma_start3A_237] : memref<16384x26x64xf32, #tpu.memory_space<hbm>> -> memref<4x26x64xf32, #tpu.memory_space<hbm>>
      %dma_start3A_239 = arith.constant 0 : i32
      %dma_start3A_240 = arith.constant 0 : i32
      %dma_start3A_241 = tpu.memref_slice %arg5[%add3A_235, %dma_start3A_239, %dma_start3A_240] : memref<16384x26x64xf32, #tpu.memory_space<hbm>> -> memref<4x26x64xf32, #tpu.memory_space<hbm>>
      tpu.enqueue_dma source(%arg15 : memref<4x26x64xf32, #tpu.memory_space<vmem>>) target(%dma_start3A_241 : memref<4x26x64xf32, #tpu.memory_space<hbm>>) target_semaphore(%arg23 : memref<!tpu.dma_semaphore, #tpu.memory_space<semaphore_mem>>)
    }
    %scan3A_71 = arith.constant 32 : i32
    %add3A_72 = arith.constant 496 : i32
    %add3A_73 = arith.addi %mul3A_4, %add3A_72 : i32
    %dma_wait3A = arith.constant 0 : i32
    %dma_wait3A_74 = arith.constant 0 : i32
    %dma_wait3A_75 = tpu.memref_slice %arg5[%add3A_73, %dma_wait3A, %dma_wait3A_74] : memref<16384x26x64xf32, #tpu.memory_space<hbm>> -> memref<4x26x64xf32, #tpu.memory_space<hbm>>
    %dma_wait3A_76 = arith.constant 0 : i32
    %dma_wait3A_77 = arith.constant 0 : i32
    %dma_wait3A_78 = tpu.memref_slice %arg5[%add3A_73, %dma_wait3A_76, %dma_wait3A_77] : memref<16384x26x64xf32, #tpu.memory_space<hbm>> -> memref<4x26x64xf32, #tpu.memory_space<hbm>>
    tpu.wait_dma2 semaphore(%arg20 : memref<!tpu.dma_semaphore, #tpu.memory_space<semaphore_mem>>) src(%arg12 : memref<4x26x64xf32, #tpu.memory_space<vmem>>) dst(%dma_wait3A_78 : memref<4x26x64xf32, #tpu.memory_space<hbm>>)
    %add3A_79 = arith.constant 500 : i32
    %add3A_80 = arith.addi %mul3A_4, %add3A_79 : i32
    %dma_wait3A_81 = arith.constant 0 : i32
    %dma_wait3A_82 = arith.constant 0 : i32
    %dma_wait3A_83 = tpu.memref_slice %arg5[%add3A_80, %dma_wait3A_81, %dma_wait3A_82] : memref<16384x26x64xf32, #tpu.memory_space<hbm>> -> memref<4x26x64xf32, #tpu.memory_space<hbm>>
    %dma_wait3A_84 = arith.constant 0 : i32
    %dma_wait3A_85 = arith.constant 0 : i32
    %dma_wait3A_86 = tpu.memref_slice %arg5[%add3A_80, %dma_wait3A_84, %dma_wait3A_85] : memref<16384x26x64xf32, #tpu.memory_space<hbm>> -> memref<4x26x64xf32, #tpu.memory_space<hbm>>
    tpu.wait_dma2 semaphore(%arg21 : memref<!tpu.dma_semaphore, #tpu.memory_space<semaphore_mem>>) src(%arg13 : memref<4x26x64xf32, #tpu.memory_space<vmem>>) dst(%dma_wait3A_86 : memref<4x26x64xf32, #tpu.memory_space<hbm>>)
    %add3A_87 = arith.constant 504 : i32
    %add3A_88 = arith.addi %mul3A_4, %add3A_87 : i32
    %dma_wait3A_89 = arith.constant 0 : i32
    %dma_wait3A_90 = arith.constant 0 : i32
    %dma_wait3A_91 = tpu.memref_slice %arg5[%add3A_88, %dma_wait3A_89, %dma_wait3A_90] : memref<16384x26x64xf32, #tpu.memory_space<hbm>> -> memref<4x26x64xf32, #tpu.memory_space<hbm>>
    %dma_wait3A_92 = arith.constant 0 : i32
    %dma_wait3A_93 = arith.constant 0 : i32
    %dma_wait3A_94 = tpu.memref_slice %arg5[%add3A_88, %dma_wait3A_92, %dma_wait3A_93] : memref<16384x26x64xf32, #tpu.memory_space<hbm>> -> memref<4x26x64xf32, #tpu.memory_space<hbm>>
    tpu.wait_dma2 semaphore(%arg22 : memref<!tpu.dma_semaphore, #tpu.memory_space<semaphore_mem>>) src(%arg14 : memref<4x26x64xf32, #tpu.memory_space<vmem>>) dst(%dma_wait3A_94 : memref<4x26x64xf32, #tpu.memory_space<hbm>>)
    %add3A_95 = arith.constant 508 : i32
    %add3A_96 = arith.addi %mul3A_4, %add3A_95 : i32
    %dma_wait3A_97 = arith.constant 0 : i32
    %dma_wait3A_98 = arith.constant 0 : i32
    %dma_wait3A_99 = tpu.memref_slice %arg5[%add3A_96, %dma_wait3A_97, %dma_wait3A_98] : memref<16384x26x64xf32, #tpu.memory_space<hbm>> -> memref<4x26x64xf32, #tpu.memory_space<hbm>>
    %dma_wait3A_100 = arith.constant 0 : i32
    %dma_wait3A_101 = arith.constant 0 : i32
    %dma_wait3A_102 = tpu.memref_slice %arg5[%add3A_96, %dma_wait3A_100, %dma_wait3A_101] : memref<16384x26x64xf32, #tpu.memory_space<hbm>> -> memref<4x26x64xf32, #tpu.memory_space<hbm>>
    tpu.wait_dma2 semaphore(%arg23 : memref<!tpu.dma_semaphore, #tpu.memory_space<semaphore_mem>>) src(%arg15 : memref<4x26x64xf32, #tpu.memory_space<vmem>>) dst(%dma_wait3A_102 : memref<4x26x64xf32, #tpu.memory_space<hbm>>)
    return
  }
}

</mosaic_0001>

<sc_bundles>
// kernel: kernel.3.cloned.1.call-start
scs
__scs_entry_jumppad:
0x0: {  	(pc) =	sbr.rel $0x88, $3  }
0x1: {  	(tag) =	ssettag $0x0;
	lr =	simm.s32 $0x1  }
0x2: {  	[smem:$0x3F9E] =	sst lr;
	_ =	strace $0xD0000000  }
0x3: {  	_ = 	snop  }
0x4: {  	_ = 	snop  }
0x5: {  	_ = 	snop  }
0x6: {  	_ = 	snop  }
0x7: {  	_ = 	snop  }
__scs_overlays_trampoline_lowered:
0x8: {  	[smem:$0x3FAD] =	sst s0  }
0x9: {  	[smem:$0x3FAE] =	sst s1  }
0xa: {  	[smem:$0x3FAF] =	sst s2  }
0xb: {  	[smem:$0x3FB0] =	sst s3  }
0xc: {  	[smem:$0x3FB1] =	sst s4  }
0xd: {  	[smem:$0x3FB2] =	sst s5  }
0xe: {  	[smem:$0x3FB3] =	sst s6  }
0xf: {  	[smem:$0x3FB4] =	sst s7  }
0x10: {  	[smem:$0x3FB5] =	sst s8  }
0x11: {  	[smem:$0x3FB6] =	sst s9;
	s0 =	simm.s32 @!p0 $0x0  }
0x12: {  	s1 =	sld [smem:$0x3F9C];
	s0 =	simm.s32 @p0 $0x1  }
0x13: {  	[smem:$0x3FB7] =	sst s0;
	s0 =	simm.s32 @!p1 $0x0  }
0x14: {  	s2 =	sld [smem:$0x3F9B];
	s0 =	simm.s32 @p1 $0x1  }
0x15: {  	[smem:$0x3FB8] =	sst s0;
	s0 =	simm.s32 @!p2 $0x0  }
0x16: {  	s3 =	sld [smem:$0x3FDB];
	s0 =	simm.s32 @p2 $0x1  }
0x17: {  	s4 =	simm.s32 $0x1BF5;
	[smem:$0x3FBA] =	sst s0  }
0x18: {  	s0 =	sld [smem:$0x3F9D];
	_ =	swait.ge [sflag:s4], $0x0  }
0x19: {  	s7 =	sld [smem:$0x3F9E]  }
0x1a: {  	s8 =	sadd.s32 $0xFFFFE003, lr  }
0x1b: {  	s9 =	sadd.s32 $0xFFFFFEF7, lr;
	s5 =	simm.s32 $0xFFFFFFFF;
	p2 =	slt.u32 s8, $0xFFFFF086  }
0x1c: {  	p1 =	slt.u32 s9, $0xF7A;
	s5 =	simm.s32 @!p2 $0x0  }
0x1d: {  	s5 =	simm.s32 @p1 $0x1;
	p0 =	seq.s32 s7, s2  }
0x1e: {  	s7 =	smul.u32 @!p0 $0xF7A, s2;
	p2 =	seq.s32 @!p0 s5, $0x0  }
0x1f: {  	s9 =	smul.u32 $0xF7A, s1;
	s8 =	simm.s32 @!p0 $0x1BF5;
	p2 =	por !p2, p0  }
0x20: {  	[sflag:s8] =	ssyncset.s32 @!p0 $0xFFFFF086;
	s6 =	sadd.s32 @!p0 s3, s7;
	s7 =	simm.s32 @!p0 $0x108  }
0x21: {  	s3 =	sadd.s32 s3, s9;
	s6 =	sadd.s32 @!p0 $0x88, s6;
	s7 =	simm.s32 @p2 $0x1082  }
0x22: {  	[simem:s7], [sflag:s8] =	dma.local @!p0 [hbm:s6], $0xF7A  }
0x23: {  	s9 =	sor.u32 $0xD0000000, s2;
	s6 =	simm.s32 $0x108;
	_ =	swait.ge @!p0 [sflag:s8], $0x0  }
0x24: {  	s3 =	sadd.s32 $0x88, s3;
	s6 =	simm.s32 @!p1 $0x1082;
	[sflag:s4] =	ssyncset.s32 $0xFFFFF086  }
0x25: {  	[simem:s6], [sflag:s4] =	dma.local [hbm:s3], $0xF7A  }
0x26: {  	[smem:$0x3F9E] =	sst s1;
	(tag) =	ssettag s2;
	_ =	strace s9  }
0x27: {  	s1 =	sld [smem:$0x3FAE]  }
0x28: {  	s2 =	sld [smem:$0x3FAF]  }
0x29: {  	s4 =	sld [smem:$0x3FB1]  }
0x2a: {  	p0 =	seq.s32 s5, $0x0;
	s5 =	sld [smem:$0x3FB2]  }
0x2b: {  	s6 =	sld [smem:$0x3FB3]  }
0x2c: {  	s7 =	sld [smem:$0x3FB4]  }
0x2d: {  	s3 =	simm.s32 $0x108;
	s8 =	sld [smem:$0x3FB5]  }
0x2e: {  	s3 =	simm.s32 @!p0 $0x1082;
	s9 =	sld [smem:$0x3FB6]  }
0x2f: {  	lr =	sadd.s32 s0, s3;
	s0 =	sld [smem:$0x3FAD]  }
0x30: {  	s3 =	sld [smem:$0x3FB0]  }
0x31: {  	[smem:$0x3FB9] =	sst s10  }
0x32: {  	s10 =	sld [smem:$0x3FB7];
	_ =	sdelay $0x3  }
0x33: {  	p0 =	seq.s32 s10, $0x1;
	s10 =	sld [smem:$0x3FB9];
	_ =	sdelay $0x3  }
0x34: {  	[smem:$0x3FB9] =	sst s10  }
0x35: {  	s10 =	sld [smem:$0x3FB8];
	_ =	sdelay $0x3  }
0x36: {  	p1 =	seq.s32 s10, $0x1;
	s10 =	sld [smem:$0x3FB9];
	_ =	sdelay $0x3  }
0x37: {  	[smem:$0x3FB9] =	sst s10  }
0x38: {  	s10 =	sld [smem:$0x3FBA]  }
0x39: {  	_ = 	snop;
	(pc) =	sbr.ind lr, $3  }
0x3a: {  	_ = 	snop  }
0x3b: {  	_ = 	snop  }
0x3c: {  	p2 =	seq.s32 s10, $0x1;
	s10 =	sld [smem:$0x3FB9]  }
0x3d: {  	_ =	shalt  }
0x3e: {  	_ =	shalt  }
0x3f: {  	_ =	shalt  }
0x40: {  	_ =	shalt  }
0x41: {  	_ =	shalt  }
0x42: {  	_ =	shalt  }
0x43: {  	_ =	shalt  }
0x44: {  	_ =	shalt  }
0x45: {  	_ =	shalt  }
0x46: {  	_ =	shalt  }
0x47: {  	_ =	shalt  }
0x48: {  	_ =	shalt  }
0x49: {  	_ =	shalt  }
0x4a: {  	_ =	shalt  }
0x4b: {  	_ =	shalt  }
0x4c: {  	_ =	shalt  }
0x4d: {  	_ =	shalt  }
0x4e: {  	_ =	shalt  }
0x4f: {  	_ =	shalt  }
0x50: {  	_ =	shalt  }
0x51: {  	_ =	shalt  }
0x52: {  	_ =	shalt  }
0x53: {  	_ =	shalt  }
0x54: {  	_ =	shalt  }
0x55: {  	_ =	shalt  }
0x56: {  	_ =	shalt  }
0x57: {  	_ =	shalt  }
0x58: {  	_ =	shalt  }
0x59: {  	_ =	shalt  }
0x5a: {  	_ =	shalt  }
0x5b: {  	_ =	shalt  }
0x5c: {  	_ =	shalt  }
0x5d: {  	_ =	shalt  }
0x5e: {  	_ =	shalt  }
0x5f: {  	_ =	shalt  }
0x60: {  	_ =	shalt  }
0x61: {  	_ =	shalt  }
0x62: {  	_ =	shalt  }
0x63: {  	_ =	shalt  }
0x64: {  	_ =	shalt  }
0x65: {  	_ =	shalt  }
0x66: {  	_ =	shalt  }
0x67: {  	_ =	shalt  }
0x68: {  	_ =	shalt  }
0x69: {  	_ =	shalt  }
0x6a: {  	_ =	shalt  }
0x6b: {  	_ =	shalt  }
0x6c: {  	_ =	shalt  }
0x6d: {  	_ =	shalt  }
0x6e: {  	_ =	shalt  }
0x6f: {  	_ =	shalt  }
0x70: {  	_ =	shalt  }
0x71: {  	_ =	shalt  }
0x72: {  	_ =	shalt  }
0x73: {  	_ =	shalt  }
0x74: {  	_ =	shalt  }
0x75: {  	_ =	shalt  }
0x76: {  	_ =	shalt  }
0x77: {  	_ =	shalt  }
0x78: {  	_ =	shalt  }
0x79: {  	_ =	shalt  }
0x7a: {  	_ =	shalt  }
0x7b: {  	_ =	shalt  }
0x7c: {  	_ =	shalt  }
0x7d: {  	_ =	shalt  }
0x7e: {  	_ =	shalt  }
0x7f: {  	_ =	shalt  }
0x80: {  	_ =	shalt  }
0x81: {  	_ =	shalt  }
0x82: {  	_ =	shalt  }
0x83: {  	_ =	shalt  }
0x84: {  	_ =	shalt  }
0x85: {  	_ =	shalt  }
0x86: {  	_ =	shalt  }
0x87: {  	_ =	shalt  }
.Lfunc_end0:
.L_simem_size_0:
called_computation.1_lowered:
.L_overlay_start_0:
0x88: {  	s2 =	sld [smem:$0x3FD9]  }
0x89: {  	s3 =	sld [smem:$0x3FFE];
	_ =	sdelay $0x1  }
0x8a: {  	s1 =	srdreg.scid  }
0x8b: {  	s0 =	sand.u32 $0x1, s1  }
0x8c: {  	s17 =	sshll.u32 s0, $0xA;
	s2 =	sadd.s32 s3, s2  }
0x8d: {  	s2 =	sadd.s32 s2, s17  }
0x8e: {  	[smem:$0x3FC5] =	sst s2  }
0x8f: {  	_ = 	snop  }
0x90: {  	s2 =	sld [smem:$0x3FD0];
	(tm) =	ssettm $0x1  }
0x91: {  	s18 =	sld [smem:$0x3FFB];
	_ =	sdelay $0x3  }
0x92: {  	_ =	strace s18  }
0x93: {  	s3 =	sld [smem:$0x3FFC];
	_ =	sdelay $0x3  }
0x94: {  	_ =	strace s3  }
0x95: {  	s3 =	sld [smem:$0x3FFD];
	_ =	sdelay $0x3  }
0x96: {  	_ =	strace s3  }
0x97: {  	_ =	strace $0x8FFFFFFF  }
0x98: {  	s19 =	sld [smem:$0x3FDB];
	_ =	sdelay $0x1  }
0x99: {  	s4 =	simm.s32 $_scs_section_size  }
0x9a: {  	s5 =	simm.s32 $_size__tile_overlayer_lowered;
	s6 =	simm.s32 $_tile_overlayer_lowered  }
0x9b: {  	s22 =	simm.s32 $0x1BFF;
	s21 =	sshll.u32 s6, $0x1;
	s3 =	sadd.s32 s4, s19  }
0x9c: {  	s7 =	simm.s32 $0x0;
	s20 =	sshll.u32 s5, $0x1;
	s5 =	sadd.s32 s21, s3  }
0x9d: {  	[timem:s7], [sflag:s22] =	dma.local [hbm:s5], s20  }
0x9e: {  	_ =	swait.ge [sflag:s22], s20  }
0x9f: {  	s4 =	ssub.s32 $0x0, s20;
	[sflag:s22] =	ssyncset.done $0x0  }
0xa0: {  	[sflag:s22] =	ssyncadd.s32 s4;
	_ =	sdelay $0x1  }
0xa1: {  	s23 =	simm.s32 $0x1B8B  }
0xa2: {  	_ =	swait.ge [sflag:s23], $0x1  }
0xa3: {  	[sflag:s23] =	ssyncset.done $0x0  }
0xa4: {  	s25 =	simm.s32 $0x1B8E;
	s24 =	sld [smem:$0x3FFE];
	[sflag:s23] =	ssyncadd.s32 $0xFFFFFFFF  }
0xa5: {  	s26 =	simm.s32 $execute0_lowered;
	[smem:$0x3FD2] =	sst s25  }
0xa6: {  	s5 =	sshll.u32 s26, $0x1;
	_ =	strace $0x80000046;
	[dreg:$0x1] =	wrdreg $0xFFFFFFFF  }
0xa7: {  	s28 =	simm.s32 $_size_execute0_lowered;
	s3 =	sadd.s32 s3, s5;
	[dreg:$0x0] =	wrdreg $0x0  }
0xa8: {  	s5 =	sshll.u32 s28, $0x1;
	[dreg:$0x2] =	wrdreg s3  }
0xa9: {  	[dreg:$0x3] =	wrdreg s5  }
0xaa: {  	[dreg:$0x4] =	wrdreg $0xC0  }
0xab: {  	_ =	task [dreg:s7], $0x5FFFF  }
0xac: {  	[dreg:$0x1] =	wrdreg $0xFFFFFFFF  }
0xad: {  	[dreg:$0x0] =	wrdreg $0x60  }
0xae: {  	[dreg:$0x2] =	wrdreg s24  }
0xaf: {  	[dreg:$0x3] =	wrdreg s2  }
0xb0: {  	[dreg:$0x4] =	wrdreg $0x9  }
0xb1: {  	_ =	task.clear_ibuf [dreg:s7], $0x5FFFF;
	_ =	strace $0x90000046  }
0xb2: {  	s29 =	simm.s32 $0x9;
	_ =	strace $0x80000048  }
0xb3: {  	_ =	swait.ge [sflag:s29], $0x1  }
0xb4: {  	[sflag:s29] =	ssyncadd.s32 $0xFFFFFFFF  }
0xb5: {  	_ =	strace $0x90000048  }
0xb6: {  	_ =	sfence  }
0xb7: {  	s30 =	sld [smem:$0x0];
	_ =	sdelay $0x2  }
0xb8: {  	s31 =	sshll.u32 s1, $0xD;
	s1 =	sshrl.u32 s1, $0x2  }
0xb9: {  	s3 =	sand.u32 $0x4000, s31;
	s1 =	sadd.s32 s1, s30  }
0xba: {  	s0 =	sor.u32 s3, s0;
	s1 =	sshll.u32 s1, $0x11  }
0xbb: {  	s0 =	sor.u32 s1, s0  }
0xbc: {  	s0 =	sadd.s32 $0x8F2B, s0  }
0xbd: {  	[sflag:s0] =	ssyncadd.remote.s32 $0x1  }
0xbe: {  	_ =	sfence.sel $0xFFFF  }
0xbf: {  	[dreg:$0x0] =	wrdreg $0xFFFFFFFF;
	(pc) =	sbr.abs _section_cstart, $3  }
0xc0: {  	[dreg:$0x1] =	wrdreg $0xFFFFFFFF  }
0xc1: {  	_ =	task.clear_ibuf [dreg:s7], $0x2FFFF;
	_ =	strace $0x9FFFFFFF  }
0xc2: {  	(tm) =	ssettm $0x7FFFFFFF  }
0xc3: {  	_ =	shalt  }
tec
execute0_lowered:
.L_overlay_start_1:
0x0: {  	(tag) =	ssettag $0x1  }
0x1: {  	s0 =	srdreg.scid  }
0x2: {  	s2 =	stileid.u32;
	s1 =	rddreg [dreg:$0x0];
	s9 =	simm.s32 $0x4E00  }
0x3: {  	s11 =	simm.s32 $0x68;
	s17 =	simm.s32 $0x1;
	s18 =	simm.s32 $0x8E00  }
0x4: {  	s19 =	simm.s32 $0x2;
	s21 =	simm.s32 $0xA800;
	s22 =	simm.s32 $0x3  }
0x5: {  	s24 =	simm.s32 $0xC200;
	s0 =	sand.u32 $0x1, s0;
	s3 =	sshll.u32 s2, $0x1  }
0x6: {  	s2 =	rddreg [dreg:$0x1];
	s5 =	sor.u32 s0, s3;
	s0 =	ssub.s32 $0x2, s0  }
0x7: {  	s3 =	simm.s32 $0x0;
	s4 =	smul.u32 $0x680, s5;
	s6 =	sshrl.u32 s0, $0x1  }
0x8: {  	v1 =	vlaneseq.u32;
	s25 =	simm.s32 $0x4;
	[smem:$0x7FF] =	sst s3;
	s0 =	ssub.s32 s0, s6  }
0x9: {  	v0 =	vmul.u32 $0x400, v1;
	v1 =	vmul.u32 $0x4, v1;
	s7 =	sadd.s32 s4, s1;
	s4 =	sadd.s32 $0xF43000, s1;
	s1 =	sadd.s32 $0xDC00, s1  }
0xa: {  	_ =	strace $0x80000047;
	s0 =	smax.u32 s0, $0x1;
	[dreg:$0x3] =	wrdreg s1  }
0xb: {  	s28 =	simm.s32 $0xDC00;
	v2 =	vor.u32 $0x1, v0;
	v3 =	vor.u32 $0x1, v1;
	v4 =	vor.u32 $0x2, v0;
	s31 =	sadd.s32 $0xC00, s7;
	[dreg:$0x5] =	wrdreg s0  }
0xc: {  	v5 =	vor.u32 $0x2, v1;
	v6 =	vor.u32 $0x3, v0;
	v7 =	vor.u32 $0x3, v1;
	s6 =	sshll.u32 s5, $0x9;
	s5 =	simm.s32 $0x0;
	[dreg:$0x4] =	wrdreg s31  }
.LBB2_1:
0xd: {  	[dreg:$0x6] =	wrdreg s5  }
0xe: {  	s0 =	rddreg [dreg:$0x3];
	s1 =	simm.s32 $0x9  }
0xf: {  	[tilespmem:s9], [sflag:$0x9] =	stream.linear.gather [hbm4b:s0+s3], $0x4000, $0x38;
	[tilespmem:$0xF600] =	vst v63  }
0x10: {  	_ =	swait.ge [sflag:s1], $0x4000  }
0x11: {  	[sflag:s1] =	ssyncset.done $0x0  }
0x12: {  	s20 =	rddreg [dreg:$0x4];
	[sflag:s1] =	ssyncadd.s32 $0xFFFFC000  }
0x13: {  	[tilespmem:s3], [sflag:$0x9] =	stream.linear.gather [hbm4b:s20+s3], $0x3400, $0x38;
	[tilespmem:$0xF600] =	vst v63  }
0x14: {  	_ =	swait.ge [sflag:s1], $0x3400  }
0x15: {  	[sflag:s1] =	ssyncset.done $0x0  }
0x16: {  	s23 =	simm.s32 $0x3400;
	[sflag:s1] =	ssyncadd.s32 $0xFFFFCC00  }
0x17: {  	[tilespmem:s23], [sflag:$0x1] =	stream.indirect.gather [hbm4b:s4+s11], $0x10, s3, s11, $0xb8;
	[tilespmem:$0xF600] =	vst v63  }
0x18: {  	s26 =	simm.s32 $0x3A80  }
0x19: {  	[tilespmem:s26], [sflag:$0x2] =	stream.indirect.gather [hbm4b:s4+s11], $0x10, s11, s11, $0xb8;
	[tilespmem:$0xF600] =	vst v63  }
0x1a: {  	s29 =	simm.s32 $0xD0;
	s30 =	simm.s32 $0x4100;
	s31 =	simm.s32 $0x0  }
0x1b: {  	[tilespmem:s30], [sflag:$0x3] =	stream.indirect.gather [hbm4b:s4+s11], $0x10, s29, s11, $0xb8;
	[tilespmem:$0xF600] =	vst v63  }
.LBB2_2:
0x1c: {  	s1 =	sshllo.u32 s31, $0x2  }
0x1d: {  	s0 =	smul.u32 $0x1A0, s1;
	_ =	sdelay $0x1  }
0x1e: {  	s5 =	simm.s32 $0x4780;
	s0 =	sshra.s32 s0, $0x2  }
0x1f: {  	[tilespmem:s5], [sflag:$0x4] =	stream.indirect.gather [hbm4b:s4+s11], $0x10, s0, s11, $0xb8;
	[tilespmem:$0xF600] =	vst v63  }
0x20: {  	_ =	swait.ge [sflag:s17], $0x680  }
0x21: {  	p0 =	seq.s32 s31, $0x0;
	[sflag:s17] =	ssyncset.done $0x0  }
0x22: {  	s0 =	simm.s32 @!p0 $0x5;
	[sflag:s17] =	ssyncadd.s32 $0xFFFFF980  }
0x23: {  	_ =	swait.ge @!p0 [sflag:s0], $0x1A00  }
0x24: {  	[sflag:s0] =	ssyncset.done @!p0 $0x0  }
0x25: {  	s14 =	simm.s32 $0x3420;
	[sflag:s0] =	ssyncadd.s32 @!p0 $0xFFFFE600  }
0x26: {  	v8 =	vld [tilespmem:s14+$0x10]  }
0x27: {  	v9 =	vld [tilespmem:s14+$0xFFFFFFE0]  }
0x28: {  	v10 =	vld [tilespmem:s14+$0xFFFFFFF0]  }
0x29: {  	s15 =	simm.s32 $0x0;
	v11 =	vld [tilespmem:s14+$0x0]  }
0x2a: {  	s16 =	simm.s32 $0x0;
	s23 =	simm.s32 $0x0;
	s8 =	simm.s32 $0x0  }
0x2b: {  	s26 =	simm.s32 $0x0;
	v14 =	vmov s16;
	v19 =	vmov s23;
	s0 =	smul.u32 $0x1A, s15;
	s15 =	simm.s32 $0x0  }
0x2c: {  	v20 =	vmov s8;
	v22 =	vmov s26;
	v53 =	vmov s15  }
0x2d: {  	v54 =	vmul.u32 $0x680, v53;
	v12 =	vshll.u32 v8, $0x2;
	v8 =	vshll.u32 v9, $0x2  }
0x2e: {  	v10 =	vshll.u32 v10, $0x2;
	v11 =	vshll.u32 v11, $0x2;
	v9 =	vadd.s32 v0, v12  }
0x2f: {  	v13 =	vand.u32 $0x4, v12;
	v15 =	vadd.s32 v0, v10;
	v16 =	vadd.s32 v0, v11  }
0x30: {  	v17 =	vand.u32 $0x4, v8;
	v18 =	vand.u32 $0x4, v10;
	v21 =	vand.u32 $0x4, v11  }
0x31: {  	v23 =	vadd.s32 v2, v12;
	v24 =	vadd.s32 v2, v10;
	v27 =	vadd.s32 v4, v8  }
0x32: {  	s20 =	simm.s32 $0x0;
	s0 =	ssub.s32 $0xFFFFFFFC, s0;
	v29 =	vadd.s32 v4, v10;
	v36 =	vadd.s32 v4, v12;
	v9 =	vand.u32 $0xFFFFFFF8, v9  }
0x33: {  	s7 =	simm.s32 $0x0;
	s5 =	smul.u32 $0x1A, s20;
	s0 =	sshll.u32 s0, $0x6;
	v40 =	vadd.s32 v4, v11;
	v9 =	vor.u32 v13, v9;
	v13 =	vmul.u32 $0x680, v14  }
0x34: {  	s7 =	smul.u32 $0x1A, s7;
	s0 =	sadd.s32 $0x1C0, s0;
	v15 =	vand.u32 $0xFFFFFFF8, v15;
	v16 =	vand.u32 $0xFFFFFFF8, v16;
	v14 =	vadd.s32 v0, v8  }
0x35: {  	s30 =	smul.u32 $0x1A, s26;
	s5 =	ssub.s32 $0xFFFFFFFC, s5;
	v15 =	vor.u32 v18, v15;
	v18 =	vmul.u32 $0x680, v19;
	v13 =	vadd.s32 s0, v13  }
0x36: {  	s13 =	simm.s32 $0x3460;
	s10 =	ssub.s32 $0xFFFFFFFC, s7;
	s5 =	sshll.u32 s5, $0x6;
	v19 =	vmul.u32 $0x680, v20;
	v16 =	vor.u32 v21, v16;
	v13 =	vbroadcast v13, $0x0  }
0x37: {  	s12 =	ssub.s32 $0x0, s30;
	s5 =	sadd.s32 $0x180, s5;
	v35 =	vld [tilespmem:s13+$0x10];
	v26 =	vadd.s32 v6, v8;
	v20 =	vmul.u32 $0x680, v22;
	v14 =	vand.u32 $0xFFFFFFF8, v14;
	s0 =	sshll.u32 s10, $0x6  }
0x38: {  	s7 =	sshll.u32 s12, $0x6;
	v14 =	vor.u32 v17, v14;
	v19 =	vadd.s32 s5, v19;
	s0 =	sadd.s32 $0x140, s0;
	v9 =	vld.idx.msk [tilespmem:v9+s9+$0x0], $0xffff;
	v17 =	vor.u32 v1, v13  }
0x39: {  	v43 =	vld [tilespmem:s13+$0xFFFFFFF0];
	v20 =	vadd.s32 s7, v20;
	v19 =	vbroadcast v19, $0x0;
	v18 =	vadd.s32 s0, v18  }
0x3a: {  	v25 =	vbroadcast v20, $0x0;
	v20 =	vadd.s32 v6, v10;
	v10 =	vld [tilespmem:s13+$0x0];
	v18 =	vbroadcast v18, $0x0  }
0x3b: {  	v12 =	vadd.s32 v6, v12;
	v21 =	vadd.s32 v2, v8;
	v31 =	vor.u32 v1, v19;
	v16 =	vld.idx.msk [tilespmem:v16+s9+$0x0], $0xffff  }
0x3c: {  	v15 =	vld.idx.msk [tilespmem:v15+s9+$0x0], $0xffff;
	v32 =	vor.u32 v3, v13;
	v33 =	vor.u32 v1, v25;
	v30 =	vor.u32 v1, v18  }
0x3d: {  	v37 =	vor.u32 v3, v25;
	v38 =	vor.u32 v3, v19;
	v14 =	vld.idx.msk [tilespmem:v14+s9+$0x0], $0xffff;
	[tilespmem:v17+s18+$0x0] =	vst.idx.msk $0xffff, v9  }
0x3e: {  	v22 =	vor.u32 v5, v19;
	v8 =	vor.u32 v7, v19;
	v19 =	vshll.u32 v35, $0x2;
	v28 =	vld.idx.msk [tilespmem:v23+s9+$0x0], $0xffff  }
0x3f: {  	v41 =	vor.u32 v5, v25;
	v25 =	vor.u32 v7, v25;
	v51 =	vadd.s32 v0, v19  }
0x40: {  	s14 =	simm.s32 $0x0;
	v35 =	vshll.u32 v43, $0x2;
	v57 =	vadd.s32 v2, v19;
	v45 =	vadd.s32 v4, v19;
	[tilespmem:v31+s18+$0x0] =	vst.idx.msk $0xffff, v16  }
0x41: {  	v39 =	vld [tilespmem:s13+$0xFFFFFFE0];
	s0 =	smul.u32 $0x1A, s14;
	v34 =	vor.u32 v3, v18;
	v42 =	vor.u32 v5, v18;
	v10 =	vshll.u32 v10, $0x2;
	[tilespmem:v30+s18+$0x0] =	vst.idx.msk $0xffff, v15  }
0x42: {  	v52 =	vand.u32 $0x4, v19;
	v56 =	vand.u32 $0x4, v10;
	v17 =	vadd.s32 v2, v11;
	[tilespmem:v33+s18+$0x0] =	vst.idx.msk $0xffff, v14;
	v16 =	vld.idx.msk [tilespmem:v24+s9+$0x0], $0xffff  }
0x43: {  	s0 =	ssub.s32 $0x0, s0;
	v49 =	vadd.s32 v4, v10;
	v9 =	vor.u32 v7, v18;
	v21 =	vld.idx.msk [tilespmem:v21+s9+$0x0], $0xffff;
	[tilespmem:v32+s18+$0x0] =	vst.idx.msk $0xffff, v28  }
0x44: {  	s0 =	sshll.u32 s0, $0x6;
	v31 =	vadd.s32 v0, v10;
	v23 =	vadd.s32 v6, v11;
	v11 =	vor.u32 v5, v13;
	v18 =	vld.idx.msk [tilespmem:v36+s9+$0x0], $0xffff  }
0x45: {  	s0 =	sadd.s32 $0x1C0, s0;
	v13 =	vor.u32 v7, v13;
	v14 =	vand.u32 $0xFFFFFFF8, v51;
	v30 =	vadd.s32 v0, v35  }
0x46: {  	v14 =	vor.u32 v52, v14;
	v24 =	vand.u32 $0xFFFFFFF8, v30;
	v30 =	vadd.s32 s0, v54  }
0x47: {  	s10 =	simm.s32 $0x0;
	v30 =	vbroadcast v30, $0x0;
	v17 =	vld.idx.msk [tilespmem:v17+s9+$0x0], $0xffff;
	v28 =	vshll.u32 v39, $0x2;
	v32 =	vadd.s32 v2, v35;
	[tilespmem:v34+s18+$0x0] =	vst.idx.msk $0xffff, v16  }
0x48: {  	s26 =	simm.s32 $0x0;
	v55 =	vmov s10;
	v15 =	vadd.s32 v0, v28;
	v36 =	vadd.s32 v4, v35;
	[tilespmem:v37+s18+$0x0] =	vst.idx.msk $0xffff, v21;
	v29 =	vld.idx.msk [tilespmem:v29+s9+$0x0], $0xffff  }
0x49: {  	s23 =	simm.s32 $0x0;
	s30 =	smul.u32 $0x1A, s26;
	v15 =	vand.u32 $0xFFFFFFF8, v15;
	v16 =	vmov s26;
	v27 =	vld.idx.msk [tilespmem:v27+s9+$0x0], $0xffff;
	[tilespmem:v11+s18+$0x0] =	vst.idx.msk $0xffff, v18;
	v11 =	vand.u32 $0x4, v28  }
0x4a: {  	s16 =	simm.s32 $0x0;
	s7 =	smul.u32 $0x1A, s23;
	v18 =	vand.u32 $0xFFFFFFF8, v31;
	v31 =	vand.u32 $0x4, v35;
	v12 =	vld.idx.msk [tilespmem:v12+s9+$0x0], $0xffff;
	v11 =	vor.u32 v11, v15  }
0x4b: {  	s0 =	smul.u32 $0x1A, s16;
	v14 =	vld.idx.msk [tilespmem:v14+s9+$0x0], $0xffff;
	v34 =	vadd.s32 v4, v28;
	v15 =	vor.u32 v1, v30;
	v24 =	vor.u32 v31, v24  }
0x4c: {  	s20 =	simm.s32 $0x0;
	s5 =	ssub.s32 $0x4, s30;
	s7 =	ssub.s32 $0x0, s7;
	v16 =	vmul.u32 $0x680, v16;
	[tilespmem:v38+s18+$0x0] =	vst.idx.msk $0xffff, v17;
	v17 =	vor.u32 v56, v18;
	v18 =	vmul.u32 $0x680, v55  }
0x4d: {  	s10 =	simm.s32 $0x34A0;
	s7 =	sshll.u32 s7, $0x6;
	s0 =	ssub.s32 $0x0, s0;
	v21 =	vmov s20;
	v31 =	vadd.s32 v2, v28;
	v56 =	vor.u32 v5, v30;
	[tilespmem:v42+s18+$0x0] =	vst.idx.msk $0xffff, v29;
	v29 =	vld.idx.msk [tilespmem:v40+s9+$0x0], $0xffff  }
0x4e: {  	s5 =	sshll.u32 s5, $0x6;
	v46 =	vld [tilespmem:s10+$0x10];
	s7 =	sadd.s32 $0x180, s7;
	s0 =	sshll.u32 s0, $0x6;
	v21 =	vmul.u32 $0x680, v21;
	v55 =	vor.u32 v7, v30;
	[tilespmem:v41+s18+$0x0] =	vst.idx.msk $0xffff, v27;
	v27 =	vadd.s32 v2, v10  }
0x4f: {  	s0 =	sadd.s32 $0x140, s0;
	v10 =	vadd.s32 v6, v10;
	[tilespmem:v13+s18+$0x0] =	vst.idx.msk $0xffff, v12;
	v13 =	vadd.s32 s5, v16;
	v16 =	vadd.s32 s7, v18;
	v18 =	vld.idx.msk [tilespmem:v11+s9+$0x0], $0xffff  }
0x50: {  	v12 =	vadd.s32 s0, v21;
	[tilespmem:v15+s18+$0x0] =	vst.idx.msk $0xffff, v14;
	v59 =	vld.idx.msk [tilespmem:v24+s9+$0x0], $0xffff;
	v24 =	vor.u32 v3, v30;
	v21 =	vbroadcast v13, $0x0  }
0x51: {  	v11 =	vadd.s32 v6, v35;
	v12 =	vbroadcast v12, $0x0;
	v15 =	vbroadcast v16, $0x0;
	v58 =	vld.idx.msk [tilespmem:v57+s9+$0x0], $0xffff  }
0x52: {  	v50 =	vld [tilespmem:s10+$0xFFFFFFE0];
	v13 =	vadd.s32 v6, v28;
	[tilespmem:v22+s18+$0x0] =	vst.idx.msk $0xffff, v29;
	v62 =	vor.u32 v1, v21  }
0x53: {  	v52 =	vld [tilespmem:s10+$0xFFFFFFF0];
	v60 =	vor.u32 v1, v12;
	v61 =	vor.u32 v1, v15;
	v44 =	vor.u32 v3, v12  }
0x54: {  	v28 =	vld [tilespmem:s10+$0x0];
	v47 =	vor.u32 v3, v21;
	v48 =	vor.u32 v3, v15;
	v51 =	vor.u32 v5, v21  }
0x55: {  	v63 =	vld.idx.msk [tilespmem:v17+s9+$0x0], $0xffff;
	v16 =	vor.u32 v5, v12;
	v14 =	vor.u32 v5, v15;
	v17 =	vor.u32 v7, v12  }
0x56: {  	s12 =	simm.s32 $0x0;
	s14 =	simm.s32 $0x0;
	v12 =	vor.u32 v7, v21;
	v15 =	vor.u32 v7, v15;
	[tilespmem:v24+s18+$0x0] =	vst.idx.msk $0xffff, v58;
	v24 =	vshll.u32 v46, $0x2  }
0x57: {  	s0 =	smul.u32 $0x1A, s12;
	v30 =	vmov s14;
	v29 =	vld.idx.msk [tilespmem:v26+s9+$0x0], $0xffff;
	v58 =	vadd.s32 v6, v19;
	v21 =	vadd.s32 v0, v24;
	[tilespmem:v62+s18+$0x0] =	vst.idx.msk $0xffff, v18  }
0x58: {  	s13 =	simm.s32 $0x0;
	v19 =	vshll.u32 v52, $0x2;
	v57 =	vld.idx.msk [tilespmem:v45+s9+$0x0], $0xffff;
	v18 =	vshll.u32 v50, $0x2;
	[tilespmem:v60+s18+$0x0] =	vst.idx.msk $0xffff, v59;
	v59 =	vand.u32 $0xFFFFFFF8, v21  }
0x59: {  	v22 =	vld.idx.msk [tilespmem:v20+s9+$0x0], $0xffff;
	s0 =	ssub.s32 $0x4, s0;
	v60 =	vand.u32 $0x4, v24;
	v21 =	vshll.u32 v28, $0x2;
	v28 =	vmov s13  }
0x5a: {  	s0 =	sshll.u32 s0, $0x6;
	v62 =	vadd.s32 v0, v19;
	v31 =	vld.idx.msk [tilespmem:v31+s9+$0x0], $0xffff;
	v37 =	vor.u32 v60, v59;
	v28 =	vmul.u32 $0x680, v28  }
0x5b: {  	s0 =	sadd.s32 $0x1C0, s0;
	v54 =	vand.u32 $0x4, v19;
	[tilespmem:v61+s18+$0x0] =	vst.idx.msk $0xffff, v63;
	v32 =	vld.idx.msk [tilespmem:v32+s9+$0x0], $0xffff;
	v61 =	vadd.s32 v0, v18;
	v63 =	vand.u32 $0xFFFFFFF8, v62  }
0x5c: {  	s23 =	simm.s32 $0x0;
	v27 =	vld.idx.msk [tilespmem:v27+s9+$0x0], $0xffff;
	v50 =	vadd.s32 v0, v21;
	v52 =	vand.u32 $0x4, v18;
	v20 =	vadd.s32 s0, v28  }
0x5d: {  	s20 =	simm.s32 $0x0;
	s26 =	smul.u32 $0x1A, s23;
	v62 =	vmul.u32 $0x680, v30;
	v35 =	vadd.s32 v2, v18;
	[tilespmem:v56+s18+$0x0] =	vst.idx.msk $0xffff, v57;
	v20 =	vbroadcast v20, $0x0  }
0x5e: {  	s15 =	simm.s32 $0x0;
	s8 =	smul.u32 $0x1A, s20;
	[tilespmem:v25+s18+$0x0] =	vst.idx.msk $0xffff, v29;
	v30 =	vadd.s32 v2, v19;
	v26 =	vand.u32 $0xFFFFFFF8, v61;
	v53 =	vand.u32 $0xFFFFFFF8, v50;
	v28 =	vld.idx.msk [tilespmem:v58+s9+$0x0], $0xffff  }
0x5f: {  	s7 =	smul.u32 $0x1A, s15;
	v38 =	vor.u32 v54, v63;
	[tilespmem:v47+s18+$0x0] =	vst.idx.msk $0xffff, v31;
	v58 =	vld.idx.msk [tilespmem:v37+s9+$0x0], $0xffff;
	v60 =	vor.u32 v1, v20  }
0x60: {  	s16 =	simm.s32 $0x0;
	v59 =	vmov s23;
	v61 =	vadd.s32 v2, v24;
	v33 =	vor.u32 v52, v26;
	[tilespmem:v44+s18+$0x0] =	vst.idx.msk $0xffff, v32;
	v34 =	vld.idx.msk [tilespmem:v34+s9+$0x0], $0xffff  }
0x61: {  	s30 =	ssub.s32 $0x4, s8;
	s7 =	ssub.s32 $0x4, s7;
	v23 =	vld.idx.msk [tilespmem:v23+s9+$0x0], $0xffff;
	s0 =	ssub.s32 $0x8, s26;
	v56 =	vmov s16;
	v57 =	vand.u32 $0x4, v21;
	[tilespmem:v48+s18+$0x0] =	vst.idx.msk $0xffff, v27;
	v27 =	vmul.u32 $0x680, v59  }
0x62: {  	s5 =	sshll.u32 s30, $0x6;
	s7 =	sshll.u32 s7, $0x6;
	s0 =	sshll.u32 s0, $0x6;
	v42 =	vor.u32 v57, v53;
	v63 =	vmul.u32 $0x680, v56;
	v43 =	vor.u32 v3, v20;
	v31 =	vld.idx.msk [tilespmem:v36+s9+$0x0], $0xffff  }
0x63: {  	s5 =	sadd.s32 $0x140, s5;
	s7 =	sadd.s32 $0x180, s7;
	v44 =	vadd.s32 v4, v24;
	v26 =	vld.idx.msk [tilespmem:v49+s9+$0x0], $0xffff;
	v25 =	vadd.s32 s0, v27;
	[tilespmem:v55+s18+$0x0] =	vst.idx.msk $0xffff, v28  }
0x64: {  	v39 =	vld.idx.msk [tilespmem:v38+s9+$0x0], $0xffff;
	v27 =	vadd.s32 s5, v62;
	v36 =	vbroadcast v25, $0x0;
	v28 =	vadd.s32 s7, v63;
	[tilespmem:v60+s18+$0x0] =	vst.idx.msk $0xffff, v58  }
0x65: {  	s29 =	simm.s32 $0x58A1;
	v37 =	vld.idx.msk [tilespmem:v33+s9+$0x0], $0xffff;
	v33 =	vadd.s32 v2, v21;
	v32 =	vbroadcast v28, $0x0;
	[tilespmem:v51+s18+$0x0] =	vst.idx.msk $0xffff, v34;
	v34 =	vbroadcast v27, $0x0  }
0x66: {  	s8 =	simm.s32 $0x627A;
	s14 =	simm.s32 $0x6C53;
	s10 =	simm.s32 $0x34E0;
	v25 =	vadd.s32 v4, v19;
	v45 =	vor.u32 v1, v36;
	v27 =	vadd.s32 v4, v18;
	v40 =	vld.idx.msk [tilespmem:v61+s9+$0x0], $0xffff  }
0x67: {  	s0 =	simm.s32 $0x8;
	s5 =	simm.s32 $0x4EC8;
	s7 =	simm.s32 $0x8;
	v42 =	vld.idx.msk [tilespmem:v42+s9+$0x0], $0xffff;
	v38 =	vor.u32 v1, v32;
	v41 =	vor.u32 v1, v34;
	v28 =	vor.u32 v3, v34  }
.LBB2_3:
0x68: {  	v46 =	vld [tilespmem:s10+$0x10];
	v47 =	vor.u32 v3, v36;
	v48 =	vor.u32 v3, v32;
	v49 =	vadd.s32 v4, v21;
	s30 =	smov.u32 s0;
	s0 =	sadd.s32 $0x4, s0  }
0x69: {  	v29 =	vor.u32 v5, v36;
	v51 =	vor.u32 v5, v34;
	v52 =	vor.u32 v5, v32;
	v50 =	vld [tilespmem:s10+$0xFFFFFFE0];
	p1 =	slt.u32 s0, $0x64  }
0x6a: {  	v54 =	vadd.s32 v6, v18;
	v55 =	vadd.s32 v6, v19;
	v53 =	vld [tilespmem:s10+$0xFFFFFFF0];
	[tilespmem:v16+s18+$0x0] =	vst.idx.msk $0xffff, v31;
	v16 =	vmov v51  }
0x6b: {  	v34 =	vor.u32 v7, v34;
	v51 =	vadd.s32 v6, v21;
	v31 =	vld [tilespmem:s10+$0x0];
	[tilespmem:v43+s18+$0x0] =	vst.idx.msk $0xffff, v40  }
0x6c: {  	v36 =	vor.u32 v7, v36;
	v32 =	vor.u32 v7, v32;
	s14 =	sadd.s32 $0x2764, s14;
	[tilespmem:v45+s18+$0x0] =	vst.idx.msk $0xffff, v37;
	v37 =	vld.idx.msk [tilespmem:v44+s9+$0x0], $0xffff  }
0x6d: {  	s5 =	sadd.s32 $0x2764, s5;
	s12 =	sshrl.u32 s14, $0x10;
	v40 =	vshll.u32 v46, $0x2;
	v35 =	vld.idx.msk [tilespmem:v35+s9+$0x0], $0xffff;
	[tilespmem:v41+s18+$0x0] =	vst.idx.msk $0xffff, v39;
	v39 =	vor.u32 v5, v20  }
0x6e: {  	v24 =	vadd.s32 v6, v24;
	s15 =	sadd.s32 $0x1D8B, s5;
	s13 =	smul.u32 $0x1A, s12;
	s12 =	sshrl.u32 s5, $0x10;
	v18 =	vshll.u32 v50, $0x2;
	v21 =	vadd.s32 v0, v40;
	[tilespmem:v38+s18+$0x0] =	vst.idx.msk $0xffff, v42  }
0x6f: {  	s16 =	sadd.s32 $0x9D9, s5;
	s20 =	sadd.s32 $0x13B2, s5;
	s15 =	sshrl.u32 s15, $0x10;
	v41 =	vand.u32 $0x4, v40;
	v19 =	vshll.u32 v53, $0x2;
	v38 =	vand.u32 $0xFFFFFFF8, v21;
	v30 =	vld.idx.msk [tilespmem:v30+s9+$0x0], $0xffff;
	[tilespmem:v14+s18+$0x0] =	vst.idx.msk $0xffff, v26;
	v14 =	vmovc v52  }
0x70: {  	s16 =	sshrl.u32 s16, $0x10;
	s23 =	smul.u32 $0x1A, s12;
	s13 =	ssub.s32 s30, s13;
	v26 =	vmov s15;
	v21 =	vshll.u32 v31, $0x2;
	v31 =	vor.u32 v41, v38;
	v33 =	vld.idx.msk [tilespmem:v33+s9+$0x0], $0xffff;
	[tilespmem:v9+s18+$0x0] =	vst.idx.msk $0xffff, v22;
	v9 =	vmovc v17  }
0x71: {  	s7 =	sadd.s32 $0x4, s7;
	s13 =	sshll.u32 s13, $0x6;
	s15 =	sshrl.u32 s20, $0x10;
	v17 =	vadd.s32 v0, v18;
	v22 =	vadd.s32 v0, v19;
	v26 =	vmul.u32 $0x680, v26;
	v38 =	vld.idx.msk [tilespmem:v13+s9+$0x0], $0xffff;
	v13 =	vmovc v54  }
0x72: {  	s8 =	sadd.s32 $0x2764, s8;
	s13 =	sadd.s32 $0x1C0, s13;
	s20 =	ssub.s32 s7, s23;
	v41 =	vand.u32 $0xFFFFFFF8, v17;
	v42 =	vand.u32 $0xFFFFFFF8, v22;
	v17 =	vadd.s32 v0, v21;
	[tilespmem:v39+s18+$0x0] =	vst.idx.msk $0xffff, v37;
	v22 =	vld.idx.msk [tilespmem:v11+s9+$0x0], $0xffff  }
0x73: {  	s29 =	sadd.s32 $0x2764, s29;
	s23 =	sshrl.u32 s8, $0x10;
	s20 =	sshll.u32 s20, $0x6;
	v37 =	vand.u32 $0x4, v18;
	v39 =	vand.u32 $0xFFFFFFF8, v17;
	v46 =	vadd.s32 s13, v26;
	v11 =	vmovc v55;
	[tilespmem:v47+s18+$0x0] =	vst.idx.msk $0xffff, v35;
	v24 =	vld.idx.msk [tilespmem:v24+s9+$0x0], $0xffff  }
0x74: {  	v43 =	vor.u32 v7, v20;
	s13 =	smul.u32 $0x1A, s23;
	s23 =	sshrl.u32 s29, $0x10;
	v26 =	vand.u32 $0x4, v19;
	v20 =	vbroadcast v46, $0x0;
	v27 =	vld.idx.msk [tilespmem:v27+s9+$0x0], $0xffff;
	[tilespmem:v8+s18+$0x0] =	vst.idx.msk $0xffff, v23  }
0x75: {  	v44 =	vand.u32 $0x4, v21;
	s23 =	smul.u32 $0x1A, s23;
	v35 =	vmov s15;
	v23 =	vmov s16;
	v17 =	vmovc v34;
	v8 =	vmovc v15;
	v45 =	vld.idx.msk [tilespmem:v31+s9+$0x0], $0xffff;
	[tilespmem:v28+s18+$0x0] =	vst.idx.msk $0xffff, v30  }
0x76: {  	v15 =	vmov s12;
	v28 =	vor.u32 v37, v41;
	v41 =	vor.u32 v1, v20;
	v31 =	vld.idx.msk [tilespmem:v25+s9+$0x0], $0xffff;
	[tilespmem:v48+s18+$0x0] =	vst.idx.msk $0xffff, v33  }
0x77: {  	v42 =	vor.u32 v26, v42;
	v44 =	vor.u32 v44, v39;
	v39 =	vadd.s32 v2, v40;
	s13 =	ssub.s32 s30, s13;
	s12 =	ssub.s32 s30, s23;
	v26 =	vld.idx.msk [tilespmem:v49+s9+$0x0], $0xffff  }
0x78: {  	v34 =	vmul.u32 $0x680, v15;
	s13 =	sshll.u32 s13, $0x6;
	s12 =	sshll.u32 s12, $0x6;
	v25 =	vmul.u32 $0x680, v23;
	v33 =	vmul.u32 $0x680, v35;
	[tilespmem:v12+s18+$0x0] =	vst.idx.msk $0xffff, v38;
	v23 =	vld.idx.msk [tilespmem:v10+s9+$0x0], $0xffff;
	v10 =	vmovc v51  }
0x79: {  	v30 =	vadd.s32 v2, v19;
	v35 =	vadd.s32 v2, v18;
	s13 =	sadd.s32 $0x180, s13;
	s12 =	sadd.s32 $0x140, s12;
	v12 =	vmov v36;
	[tilespmem:v43+s18+$0x0] =	vst.idx.msk $0xffff, v24  }
.Ltmp0:
0x7a: {  	v15 =	vmovc v32;
	v36 =	vadd.s32 s20, v34;
	v25 =	vadd.s32 s12, v25;
	v33 =	vadd.s32 s13, v33;
	v24 =	vmovc v40;
	[tilespmem:v29+s18+$0x0] =	vst.idx.msk $0xffff, v27;
	(pc) =	sbr.rel @p1 .LBB2_3-.Ltmp0, $4  }
0x7b: {  	v34 =	vbroadcast v25, $0x0;
	v32 =	vbroadcast v33, $0x0;
	v33 =	vadd.s32 v2, v21;
	v37 =	vld.idx.msk [tilespmem:v28+s9+$0x0], $0xffff;
	[tilespmem:v41+s18+$0x0] =	vst.idx.msk $0xffff, v45  }
0x7c: {  	v36 =	vbroadcast v36, $0x0;
	v25 =	vadd.s32 v4, v19;
	v27 =	vadd.s32 v4, v18;
	v40 =	vld.idx.msk [tilespmem:v39+s9+$0x0], $0xffff  }
0x7d: {  	v43 =	vor.u32 v3, v20;
	v41 =	vor.u32 v1, v34;
	v38 =	vor.u32 v1, v32;
	v39 =	vld.idx.msk [tilespmem:v42+s9+$0x0], $0xffff  }
0x7e: {  	s10 =	sadd.s32 $0x40, s10;
	v45 =	vor.u32 v1, v36;
	v28 =	vor.u32 v3, v34;
	v42 =	vld.idx.msk [tilespmem:v44+s9+$0x0], $0xffff;
	v44 =	vadd.s32 v4, v24  }
0x7f: {  	_ =	sdelay $0x3  }
0x80: {  	[tilespmem:v16+s18+$0x0] =	vst.idx.msk $0xffff, v31  }
0x81: {  	[tilespmem:v45+s18+$0x0] =	vst.idx.msk $0xffff, v37  }
0x82: {  	v63 =	vor.u32 v3, v36;
	v29 =	vld.idx.msk [tilespmem:v35+s9+$0x0], $0xffff;
	[tilespmem:v41+s18+$0x0] =	vst.idx.msk $0xffff, v39  }
0x83: {  	[tilespmem:v38+s18+$0x0] =	vst.idx.msk $0xffff, v42;
	v30 =	vld.idx.msk [tilespmem:v30+s9+$0x0], $0xffff  }
0x84: {  	[tilespmem:v14+s18+$0x0] =	vst.idx.msk $0xffff, v26;
	v42 =	vor.u32 v3, v32;
	v33 =	vld.idx.msk [tilespmem:v33+s9+$0x0], $0xffff  }
0x85: {  	[tilespmem:v9+s18+$0x0] =	vst.idx.msk $0xffff, v22;
	v45 =	vadd.s32 v4, v21  }
0x86: {  	v49 =	vld.idx.msk [tilespmem:v13+s9+$0x0], $0xffff;
	[tilespmem:v43+s18+$0x0] =	vst.idx.msk $0xffff, v40  }
0x87: {  	v47 =	vor.u32 v5, v20;
	v46 =	vld.idx.msk [tilespmem:v44+s9+$0x0], $0xffff;
	[tilespmem:v63+s18+$0x0] =	vst.idx.msk $0xffff, v29  }
0x88: {  	v48 =	vadd.s32 v6, v24;
	v50 =	vor.u32 v5, v36;
	v16 =	vld.idx.msk [tilespmem:v27+s9+$0x0], $0xffff;
	[tilespmem:v28+s18+$0x0] =	vst.idx.msk $0xffff, v30  }
0x89: {  	v51 =	vor.u32 v5, v34;
	v18 =	vadd.s32 v6, v18;
	v52 =	vld.idx.msk [tilespmem:v25+s9+$0x0], $0xffff;
	[tilespmem:v42+s18+$0x0] =	vst.idx.msk $0xffff, v33  }
0x8a: {  	v53 =	vor.u32 v5, v32;
	v19 =	vadd.s32 v6, v19;
	[tilespmem:v8+s18+$0x0] =	vst.idx.msk $0xffff, v23;
	v54 =	vld.idx.msk [tilespmem:v45+s9+$0x0], $0xffff  }
0x8b: {  	v55 =	vadd.s32 v6, v21;
	v8 =	vld.idx.msk [tilespmem:v11+s9+$0x0], $0xffff;
	[tilespmem:v12+s18+$0x0] =	vst.idx.msk $0xffff, v49  }
0x8c: {  	v57 =	vld.idx.msk [tilespmem:v10+s9+$0x0], $0xffff;
	[tilespmem:v47+s18+$0x0] =	vst.idx.msk $0xffff, v46  }
0x8d: {  	v56 =	vor.u32 v7, v20;
	v14 =	vld.idx.msk [tilespmem:v48+s9+$0x0], $0xffff;
	[tilespmem:v50+s18+$0x0] =	vst.idx.msk $0xffff, v16  }
0x8e: {  	v58 =	vor.u32 v7, v36;
	v59 =	vld.idx.msk [tilespmem:v18+s9+$0x0], $0xffff;
	[tilespmem:v51+s18+$0x0] =	vst.idx.msk $0xffff, v52  }
0x8f: {  	v60 =	vor.u32 v7, v34;
	[tilespmem:v53+s18+$0x0] =	vst.idx.msk $0xffff, v54;
	v61 =	vld.idx.msk [tilespmem:v19+s9+$0x0], $0xffff  }
0x90: {  	v62 =	vor.u32 v7, v32;
	[tilespmem:v17+s18+$0x0] =	vst.idx.msk $0xffff, v8;
	v63 =	vld.idx.msk [tilespmem:v55+s9+$0x0], $0xffff  }
0x91: {  	s0 =	sshll.u32 s31, $0x4;
	p1 =	sne.s32 s31, $0x1F;
	[tilespmem:v15+s18+$0x0] =	vst.idx.msk $0xffff, v57  }
.Ltmp1:
0x92: {  	s5 =	sadd.s32 s6, s0;
	[tilespmem:v56+s18+$0x0] =	vst.idx.msk $0xffff, v14;
	(pc) =	sbr.rel @p1 .LBB2_6-.Ltmp1, $4  }
0x93: {  	s5 =	smul.u32 $0xD0, s5;
	[tilespmem:v58+s18+$0x0] =	vst.idx.msk $0xffff, v59  }
0x94: {  	[tilespmem:v60+s18+$0x0] =	vst.idx.msk $0xffff, v61  }
0x95: {  	s5 =	sadd.s32 s2, s5;
	[tilespmem:v62+s18+$0x0] =	vst.idx.msk $0xffff, v63  }
0x96: {  	[hbm4b:s5+s3] =	stream.linear.scatter [tilespmem:s18], [sflag:$0x5], $0x1A00, $0x38;
	[tilespmem:$0xF600] =	vst v63  }
.Ltmp2:
0x97: {  	(pc) =	sbr.rel .LBB2_7-.Ltmp2, $4  }
0x98: {  	_ = 	snop  }
0x99: {  	_ =	swait.ge [sflag:s19], $0x680  }
0x9a: {  	[sflag:s19] =	ssyncset.done $0x0  }
0x9b: {  	[sflag:s19] =	ssyncadd.s32 $0xFFFFF980  }
.LBB2_6:
0x9c: {  	s5 =	smul.u32 $0x680, s31;
	_ =	sdelay $0x1  }
0x9d: {  	s5 =	sshra.s32 s5, $0x2  }
.Ltmp3:
0x9e: {  	s7 =	simm.s32 $0x3400;
	s5 =	sadd.s32 $0x1A0, s5;
	(pc) =	sbr.rel @p0 .LBB2_8-.Ltmp3, $4  }
0x9f: {  	[tilespmem:s7], [sflag:$0x1] =	stream.indirect.gather [hbm4b:s4+s11], $0x10, s5, s11, $0xb8;
	[tilespmem:$0xF600] =	vst v63  }
0xa0: {  	_ =	swait.ge [sflag:s19], $0x680  }
0xa1: {  	[sflag:s19] =	ssyncset.done $0x0  }
0xa2: {  	[sflag:s19] =	ssyncadd.s32 $0xFFFFF980  }
.LBB2_7:
0xa3: {  	s5 =	simm.s32 $0x6  }
0xa4: {  	_ =	swait.ge [sflag:s5], $0x1A00  }
0xa5: {  	[sflag:s5] =	ssyncset.done $0x0  }
0xa6: {  	[sflag:s5] =	ssyncadd.s32 $0xFFFFE600  }
.LBB2_8:
0xa7: {  	s5 =	simm.s32 $0x3AA0  }
0xa8: {  	v8 =	vld [tilespmem:s5+$0x10]  }
0xa9: {  	v9 =	vld [tilespmem:s5+$0xFFFFFFE0]  }
0xaa: {  	v10 =	vld [tilespmem:s5+$0xFFFFFFF0]  }
0xab: {  	v11 =	vld [tilespmem:s5+$0x0];
	_ =	sdelay $0x1  }
0xac: {  	s7 =	simm.s32 $0x0;
	s20 =	simm.s32 $0x0;
	s10 =	simm.s32 $0x0  }
0xad: {  	s23 =	simm.s32 $0x0;
	v14 =	vmov s7;
	v19 =	vmov s20;
	v20 =	vmov s10  }
0xae: {  	v22 =	vmov s23;
	v12 =	vshll.u32 v8, $0x2;
	v8 =	vshll.u32 v9, $0x2  }
0xaf: {  	v10 =	vshll.u32 v10, $0x2;
	v11 =	vshll.u32 v11, $0x2;
	v9 =	vadd.s32 v0, v12  }
0xb0: {  	s15 =	simm.s32 $0x0;
	v13 =	vand.u32 $0x4, v12;
	v15 =	vadd.s32 v0, v10;
	v16 =	vadd.s32 v0, v11  }
0xb1: {  	s5 =	smul.u32 $0x1A, s15;
	v17 =	vand.u32 $0x4, v8;
	v18 =	vand.u32 $0x4, v10;
	v21 =	vand.u32 $0x4, v11  }
0xb2: {  	v23 =	vadd.s32 v2, v12;
	v24 =	vadd.s32 v2, v10;
	v27 =	vadd.s32 v4, v8  }
0xb3: {  	s16 =	simm.s32 $0x0;
	s5 =	ssub.s32 $0xFFFFFFFC, s5;
	v29 =	vadd.s32 v4, v10;
	v36 =	vadd.s32 v4, v12;
	v9 =	vand.u32 $0xFFFFFFF8, v9  }
0xb4: {  	s8 =	simm.s32 $0x0;
	s7 =	smul.u32 $0x1A, s16;
	s5 =	sshll.u32 s5, $0x6;
	v15 =	vand.u32 $0xFFFFFFF8, v15;
	v9 =	vor.u32 v13, v9;
	v13 =	vmul.u32 $0x680, v14  }
0xb5: {  	s8 =	smul.u32 $0x1A, s8;
	s5 =	sadd.s32 $0x1C0, s5;
	v16 =	vand.u32 $0xFFFFFFF8, v16;
	v14 =	vadd.s32 v0, v8;
	v15 =	vor.u32 v18, v15  }
0xb6: {  	s26 =	smul.u32 $0x1A, s23;
	s7 =	ssub.s32 $0xFFFFFFFC, s7;
	v18 =	vmul.u32 $0x680, v19;
	v19 =	vmul.u32 $0x680, v20;
	v13 =	vadd.s32 s5, v13  }
0xb7: {  	s12 =	simm.s32 $0x3AE0;
	s7 =	sshll.u32 s7, $0x6;
	v16 =	vor.u32 v21, v16;
	v14 =	vand.u32 $0xFFFFFFF8, v14;
	v13 =	vbroadcast v13, $0x0  }
0xb8: {  	v35 =	vld [tilespmem:s12+$0x10];
	s8 =	ssub.s32 $0xFFFFFFFC, s8;
	s10 =	ssub.s32 $0x0, s26;
	s7 =	sadd.s32 $0x180, s7;
	v40 =	vadd.s32 v4, v11;
	v20 =	vmul.u32 $0x680, v22;
	v14 =	vor.u32 v17, v14  }
0xb9: {  	v26 =	vadd.s32 v6, v8;
	s5 =	sshll.u32 s8, $0x6;
	s8 =	sshll.u32 s10, $0x6;
	v19 =	vadd.s32 s7, v19;
	v9 =	vld.idx.msk [tilespmem:v9+s9+$0x0], $0xffff;
	v17 =	vor.u32 v1, v13  }
0xba: {  	v43 =	vld [tilespmem:s12+$0xFFFFFFF0];
	v12 =	vadd.s32 v6, v12;
	s5 =	sadd.s32 $0x140, s5;
	v20 =	vadd.s32 s8, v20;
	v19 =	vbroadcast v19, $0x0  }
0xbb: {  	v18 =	vadd.s32 s5, v18;
	v25 =	vbroadcast v20, $0x0;
	v20 =	vadd.s32 v6, v10;
	v10 =	vld [tilespmem:s12+$0x0]  }
0xbc: {  	v21 =	vadd.s32 v2, v8;
	v18 =	vbroadcast v18, $0x0;
	v31 =	vor.u32 v1, v19;
	v16 =	vld.idx.msk [tilespmem:v16+s9+$0x0], $0xffff  }
0xbd: {  	s14 =	simm.s32 $0x0;
	v32 =	vor.u32 v3, v13;
	v38 =	vor.u32 v3, v19;
	v33 =	vor.u32 v1, v25;
	v14 =	vld.idx.msk [tilespmem:v14+s9+$0x0], $0xffff  }
0xbe: {  	v53 =	vmov s14;
	v15 =	vld.idx.msk [tilespmem:v15+s9+$0x0], $0xffff;
	v22 =	vor.u32 v5, v19;
	v30 =	vor.u32 v1, v18;
	[tilespmem:v17+s21+$0x0] =	vst.idx.msk $0xffff, v9  }
0xbf: {  	v8 =	vor.u32 v7, v19;
	v19 =	vshll.u32 v35, $0x2;
	v37 =	vor.u32 v3, v25;
	v28 =	vld.idx.msk [tilespmem:v23+s9+$0x0], $0xffff  }
0xc0: {  	v41 =	vor.u32 v5, v25;
	v25 =	vor.u32 v7, v25;
	v51 =	vadd.s32 v0, v19  }
0xc1: {  	s13 =	simm.s32 $0x0;
	v54 =	vmul.u32 $0x680, v53;
	v57 =	vadd.s32 v2, v19;
	v45 =	vadd.s32 v4, v19;
	[tilespmem:v31+s21+$0x0] =	vst.idx.msk $0xffff, v16  }
0xc2: {  	v39 =	vld [tilespmem:s12+$0xFFFFFFE0];
	s5 =	smul.u32 $0x1A, s13;
	v35 =	vshll.u32 v43, $0x2;
	v34 =	vor.u32 v3, v18;
	v42 =	vor.u32 v5, v18;
	[tilespmem:v33+s21+$0x0] =	vst.idx.msk $0xffff, v14  }
0xc3: {  	v52 =	vand.u32 $0x4, v19;
	v10 =	vshll.u32 v10, $0x2;
	v17 =	vadd.s32 v2, v11;
	[tilespmem:v30+s21+$0x0] =	vst.idx.msk $0xffff, v15;
	v21 =	vld.idx.msk [tilespmem:v21+s9+$0x0], $0xffff  }
0xc4: {  	s5 =	ssub.s32 $0x0, s5;
	v9 =	vor.u32 v7, v18;
	v31 =	vadd.s32 v0, v10;
	v16 =	vld.idx.msk [tilespmem:v24+s9+$0x0], $0xffff;
	[tilespmem:v32+s21+$0x0] =	vst.idx.msk $0xffff, v28  }
0xc5: {  	s5 =	sshll.u32 s5, $0x6;
	v56 =	vand.u32 $0x4, v10;
	v23 =	vadd.s32 v6, v11;
	v11 =	vor.u32 v5, v13;
	v18 =	vld.idx.msk [tilespmem:v36+s9+$0x0], $0xffff  }
0xc6: {  	s5 =	sadd.s32 $0x1C0, s5;
	v49 =	vadd.s32 v4, v10;
	v14 =	vand.u32 $0xFFFFFFF8, v51;
	v30 =	vadd.s32 v0, v35  }
0xc7: {  	v14 =	vor.u32 v52, v14;
	v24 =	vand.u32 $0xFFFFFFF8, v30;
	v30 =	vadd.s32 s5, v54  }
0xc8: {  	s12 =	simm.s32 $0x0;
	v13 =	vor.u32 v7, v13;
	v30 =	vbroadcast v30, $0x0;
	v17 =	vld.idx.msk [tilespmem:v17+s9+$0x0], $0xffff;
	v28 =	vshll.u32 v39, $0x2;
	[tilespmem:v37+s21+$0x0] =	vst.idx.msk $0xffff, v21  }
0xc9: {  	v55 =	vmov s12;
	v32 =	vadd.s32 v2, v35;
	v15 =	vadd.s32 v0, v28;
	[tilespmem:v34+s21+$0x0] =	vst.idx.msk $0xffff, v16;
	v27 =	vld.idx.msk [tilespmem:v27+s9+$0x0], $0xffff  }
0xca: {  	s20 =	simm.s32 $0x0;
	v36 =	vadd.s32 v4, v35;
	v15 =	vand.u32 $0xFFFFFFF8, v15;
	v29 =	vld.idx.msk [tilespmem:v29+s9+$0x0], $0xffff;
	[tilespmem:v11+s21+$0x0] =	vst.idx.msk $0xffff, v18;
	v11 =	vand.u32 $0x4, v28  }
0xcb: {  	s16 =	simm.s32 $0x0;
	s23 =	simm.s32 $0x0;
	s8 =	smul.u32 $0x1A, s20;
	v18 =	vand.u32 $0xFFFFFFF8, v31;
	v31 =	vand.u32 $0x4, v35;
	v12 =	vld.idx.msk [tilespmem:v12+s9+$0x0], $0xffff;
	v11 =	vor.u32 v11, v15  }
0xcc: {  	s15 =	simm.s32 $0x0;
	s26 =	smul.u32 $0x1A, s23;
	v21 =	vmov s16;
	v14 =	vld.idx.msk [tilespmem:v14+s9+$0x0], $0xffff;
	v15 =	vor.u32 v1, v30;
	v24 =	vor.u32 v31, v24  }
0xcd: {  	s8 =	ssub.s32 $0x0, s8;
	s5 =	smul.u32 $0x1A, s15;
	v16 =	vmov s23;
	v34 =	vadd.s32 v4, v28;
	v21 =	vmul.u32 $0x680, v21;
	[tilespmem:v38+s21+$0x0] =	vst.idx.msk $0xffff, v17  }
0xce: {  	s7 =	ssub.s32 $0x4, s26;
	s8 =	sshll.u32 s8, $0x6;
	v16 =	vmul.u32 $0x680, v16;
	v17 =	vor.u32 v56, v18;
	v18 =	vmul.u32 $0x680, v55;
	[tilespmem:v41+s21+$0x0] =	vst.idx.msk $0xffff, v27  }
0xcf: {  	s7 =	sshll.u32 s7, $0x6;
	s8 =	sadd.s32 $0x180, s8;
	s5 =	ssub.s32 $0x0, s5;
	v31 =	vadd.s32 v2, v28;
	v56 =	vor.u32 v5, v30;
	[tilespmem:v42+s21+$0x0] =	vst.idx.msk $0xffff, v29;
	v29 =	vld.idx.msk [tilespmem:v40+s9+$0x0], $0xffff  }
0xd0: {  	s5 =	sshll.u32 s5, $0x6;
	v55 =	vor.u32 v7, v30;
	[tilespmem:v13+s21+$0x0] =	vst.idx.msk $0xffff, v12;
	v13 =	vadd.s32 s7, v16;
	v16 =	vadd.s32 s8, v18;
	v18 =	vld.idx.msk [tilespmem:v11+s9+$0x0], $0xffff  }
0xd1: {  	s5 =	sadd.s32 $0x140, s5;
	v27 =	vadd.s32 v2, v10;
	v10 =	vadd.s32 v6, v10;
	[tilespmem:v15+s21+$0x0] =	vst.idx.msk $0xffff, v14;
	v59 =	vld.idx.msk [tilespmem:v24+s9+$0x0], $0xffff  }
0xd2: {  	v12 =	vadd.s32 s5, v21;
	v24 =	vor.u32 v3, v30;
	s8 =	simm.s32 $0x3B20;
	v21 =	vbroadcast v13, $0x0;
	v58 =	vld.idx.msk [tilespmem:v57+s9+$0x0], $0xffff  }
0xd3: {  	v11 =	vadd.s32 v6, v35;
	v12 =	vbroadcast v12, $0x0;
	v15 =	vbroadcast v16, $0x0;
	v46 =	vld [tilespmem:s8+$0x10]  }
0xd4: {  	v50 =	vld [tilespmem:s8+$0xFFFFFFE0];
	v13 =	vadd.s32 v6, v28;
	[tilespmem:v22+s21+$0x0] =	vst.idx.msk $0xffff, v29;
	v62 =	vor.u32 v1, v21  }
0xd5: {  	v52 =	vld [tilespmem:s8+$0xFFFFFFF0];
	v60 =	vor.u32 v1, v12;
	v61 =	vor.u32 v1, v15;
	v44 =	vor.u32 v3, v12  }
0xd6: {  	v28 =	vld [tilespmem:s8+$0x0];
	v47 =	vor.u32 v3, v21;
	v48 =	vor.u32 v3, v15;
	v51 =	vor.u32 v5, v21  }
0xd7: {  	v63 =	vld.idx.msk [tilespmem:v17+s9+$0x0], $0xffff;
	v16 =	vor.u32 v5, v12;
	v14 =	vor.u32 v5, v15;
	v17 =	vor.u32 v7, v12  }
0xd8: {  	s10 =	simm.s32 $0x0;
	s13 =	simm.s32 $0x0;
	v12 =	vor.u32 v7, v21;
	v15 =	vor.u32 v7, v15;
	[tilespmem:v24+s21+$0x0] =	vst.idx.msk $0xffff, v58;
	v24 =	vshll.u32 v46, $0x2  }
0xd9: {  	s5 =	smul.u32 $0x1A, s10;
	v30 =	vmov s13;
	v29 =	vld.idx.msk [tilespmem:v26+s9+$0x0], $0xffff;
	v58 =	vadd.s32 v6, v19;
	v21 =	vadd.s32 v0, v24;
	[tilespmem:v62+s21+$0x0] =	vst.idx.msk $0xffff, v18  }
0xda: {  	s12 =	simm.s32 $0x0;
	v19 =	vshll.u32 v52, $0x2;
	v57 =	vld.idx.msk [tilespmem:v45+s9+$0x0], $0xffff;
	v18 =	vshll.u32 v50, $0x2;
	[tilespmem:v60+s21+$0x0] =	vst.idx.msk $0xffff, v59;
	v59 =	vand.u32 $0xFFFFFFF8, v21  }
0xdb: {  	v22 =	vld.idx.msk [tilespmem:v20+s9+$0x0], $0xffff;
	s5 =	ssub.s32 $0x4, s5;
	v60 =	vand.u32 $0x4, v24;
	v21 =	vshll.u32 v28, $0x2;
	v28 =	vmov s12  }
0xdc: {  	s5 =	sshll.u32 s5, $0x6;
	v62 =	vadd.s32 v0, v19;
	v31 =	vld.idx.msk [tilespmem:v31+s9+$0x0], $0xffff;
	v37 =	vor.u32 v60, v59;
	v28 =	vmul.u32 $0x680, v28  }
0xdd: {  	s5 =	sadd.s32 $0x1C0, s5;
	v54 =	vand.u32 $0x4, v19;
	[tilespmem:v61+s21+$0x0] =	vst.idx.msk $0xffff, v63;
	v32 =	vld.idx.msk [tilespmem:v32+s9+$0x0], $0xffff;
	v61 =	vadd.s32 v0, v18;
	v63 =	vand.u32 $0xFFFFFFF8, v62  }
0xde: {  	s20 =	simm.s32 $0x0;
	v27 =	vld.idx.msk [tilespmem:v27+s9+$0x0], $0xffff;
	v50 =	vadd.s32 v0, v21;
	v52 =	vand.u32 $0x4, v18;
	v20 =	vadd.s32 s5, v28  }
0xdf: {  	s16 =	simm.s32 $0x0;
	s23 =	smul.u32 $0x1A, s20;
	v62 =	vmul.u32 $0x680, v30;
	v35 =	vadd.s32 v2, v18;
	[tilespmem:v56+s21+$0x0] =	vst.idx.msk $0xffff, v57;
	v20 =	vbroadcast v20, $0x0  }
0xe0: {  	s14 =	simm.s32 $0x0;
	s10 =	smul.u32 $0x1A, s16;
	[tilespmem:v25+s21+$0x0] =	vst.idx.msk $0xffff, v29;
	v30 =	vadd.s32 v2, v19;
	v26 =	vand.u32 $0xFFFFFFF8, v61;
	v53 =	vand.u32 $0xFFFFFFF8, v50;
	v28 =	vld.idx.msk [tilespmem:v58+s9+$0x0], $0xffff  }
0xe1: {  	s8 =	smul.u32 $0x1A, s14;
	v38 =	vor.u32 v54, v63;
	[tilespmem:v47+s21+$0x0] =	vst.idx.msk $0xffff, v31;
	v58 =	vld.idx.msk [tilespmem:v37+s9+$0x0], $0xffff;
	v60 =	vor.u32 v1, v20  }
0xe2: {  	s15 =	simm.s32 $0x0;
	v59 =	vmov s20;
	v61 =	vadd.s32 v2, v24;
	v33 =	vor.u32 v52, v26;
	[tilespmem:v44+s21+$0x0] =	vst.idx.msk $0xffff, v32;
	v34 =	vld.idx.msk [tilespmem:v34+s9+$0x0], $0xffff  }
0xe3: {  	s26 =	ssub.s32 $0x4, s10;
	v23 =	vld.idx.msk [tilespmem:v23+s9+$0x0], $0xffff;
	s8 =	ssub.s32 $0x4, s8;
	s5 =	ssub.s32 $0x8, s23;
	v56 =	vmov s15;
	v57 =	vand.u32 $0x4, v21;
	[tilespmem:v48+s21+$0x0] =	vst.idx.msk $0xffff, v27;
	v27 =	vmul.u32 $0x680, v59  }
0xe4: {  	s7 =	sshll.u32 s26, $0x6;
	s8 =	sshll.u32 s8, $0x6;
	s5 =	sshll.u32 s5, $0x6;
	v42 =	vor.u32 v57, v53;
	v63 =	vmul.u32 $0x680, v56;
	v43 =	vor.u32 v3, v20;
	v31 =	vld.idx.msk [tilespmem:v36+s9+$0x0], $0xffff  }
0xe5: {  	s7 =	sadd.s32 $0x140, s7;
	s8 =	sadd.s32 $0x180, s8;
	v44 =	vadd.s32 v4, v24;
	v26 =	vld.idx.msk [tilespmem:v49+s9+$0x0], $0xffff;
	v25 =	vadd.s32 s5, v27;
	[tilespmem:v55+s21+$0x0] =	vst.idx.msk $0xffff, v28  }
0xe6: {  	v39 =	vld.idx.msk [tilespmem:v38+s9+$0x0], $0xffff;
	v27 =	vadd.s32 s7, v62;
	v36 =	vbroadcast v25, $0x0;
	v28 =	vadd.s32 s8, v63;
	[tilespmem:v60+s21+$0x0] =	vst.idx.msk $0xffff, v58  }
0xe7: {  	s29 =	simm.s32 $0x627A;
	v37 =	vld.idx.msk [tilespmem:v33+s9+$0x0], $0xffff;
	v33 =	vadd.s32 v2, v21;
	v32 =	vbroadcast v28, $0x0;
	[tilespmem:v51+s21+$0x0] =	vst.idx.msk $0xffff, v34;
	v34 =	vbroadcast v27, $0x0  }
0xe8: {  	s30 =	simm.s32 $0x3B60;
	s14 =	simm.s32 $0x8;
	s10 =	simm.s32 $0x58A1;
	v25 =	vadd.s32 v4, v19;
	v45 =	vor.u32 v1, v36;
	v27 =	vadd.s32 v4, v18;
	v40 =	vld.idx.msk [tilespmem:v61+s9+$0x0], $0xffff  }
0xe9: {  	s5 =	simm.s32 $0x6C53;
	s7 =	simm.s32 $0x4EC8;
	s8 =	simm.s32 $0x8;
	v42 =	vld.idx.msk [tilespmem:v42+s9+$0x0], $0xffff;
	v38 =	vor.u32 v1, v32;
	v41 =	vor.u32 v1, v34;
	v28 =	vor.u32 v3, v34  }
.LBB2_9:
0xea: {  	v46 =	vld [tilespmem:s30+$0x10];
	v47 =	vor.u32 v3, v36;
	v48 =	vor.u32 v3, v32;
	v49 =	vadd.s32 v4, v21;
	s12 =	smov.u32 s14;
	s14 =	sadd.s32 $0x4, s14  }
0xeb: {  	v29 =	vor.u32 v5, v36;
	v51 =	vor.u32 v5, v34;
	v52 =	vor.u32 v5, v32;
	v50 =	vld [tilespmem:s30+$0xFFFFFFE0];
	p2 =	slt.u32 s14, $0x64  }
0xec: {  	v54 =	vadd.s32 v6, v18;
	v55 =	vadd.s32 v6, v19;
	v53 =	vld [tilespmem:s30+$0xFFFFFFF0];
	[tilespmem:v16+s21+$0x0] =	vst.idx.msk $0xffff, v31;
	v16 =	vmov v51  }
0xed: {  	v34 =	vor.u32 v7, v34;
	v51 =	vadd.s32 v6, v21;
	v31 =	vld [tilespmem:s30+$0x0];
	[tilespmem:v43+s21+$0x0] =	vst.idx.msk $0xffff, v40  }
0xee: {  	v36 =	vor.u32 v7, v36;
	v32 =	vor.u32 v7, v32;
	s5 =	sadd.s32 $0x2764, s5;
	[tilespmem:v45+s21+$0x0] =	vst.idx.msk $0xffff, v37;
	v37 =	vld.idx.msk [tilespmem:v44+s9+$0x0], $0xffff  }
0xef: {  	s7 =	sadd.s32 $0x2764, s7;
	s13 =	sshrl.u32 s5, $0x10;
	v40 =	vshll.u32 v46, $0x2;
	v35 =	vld.idx.msk [tilespmem:v35+s9+$0x0], $0xffff;
	[tilespmem:v41+s21+$0x0] =	vst.idx.msk $0xffff, v39;
	v39 =	vor.u32 v5, v20  }
0xf0: {  	v24 =	vadd.s32 v6, v24;
	s16 =	sadd.s32 $0x1D8B, s7;
	s15 =	smul.u32 $0x1A, s13;
	s13 =	sshrl.u32 s7, $0x10;
	v18 =	vshll.u32 v50, $0x2;
	v21 =	vadd.s32 v0, v40;
	[tilespmem:v38+s21+$0x0] =	vst.idx.msk $0xffff, v42  }
0xf1: {  	s20 =	sadd.s32 $0x9D9, s7;
	s23 =	sadd.s32 $0x13B2, s7;
	s16 =	sshrl.u32 s16, $0x10;
	v41 =	vand.u32 $0x4, v40;
	v19 =	vshll.u32 v53, $0x2;
	v38 =	vand.u32 $0xFFFFFFF8, v21;
	v30 =	vld.idx.msk [tilespmem:v30+s9+$0x0], $0xffff;
	[tilespmem:v14+s21+$0x0] =	vst.idx.msk $0xffff, v26;
	v14 =	vmovc v52  }
0xf2: {  	s20 =	sshrl.u32 s20, $0x10;
	s26 =	smul.u32 $0x1A, s13;
	s15 =	ssub.s32 s12, s15;
	v26 =	vmov s16;
	v21 =	vshll.u32 v31, $0x2;
	v31 =	vor.u32 v41, v38;
	v33 =	vld.idx.msk [tilespmem:v33+s9+$0x0], $0xffff;
	[tilespmem:v9+s21+$0x0] =	vst.idx.msk $0xffff, v22;
	v9 =	vmovc v17  }
0xf3: {  	s8 =	sadd.s32 $0x4, s8;
	s15 =	sshll.u32 s15, $0x6;
	s16 =	sshrl.u32 s23, $0x10;
	v17 =	vadd.s32 v0, v18;
	v22 =	vadd.s32 v0, v19;
	v26 =	vmul.u32 $0x680, v26;
	v38 =	vld.idx.msk [tilespmem:v13+s9+$0x0], $0xffff;
	v13 =	vmovc v54  }
0xf4: {  	s29 =	sadd.s32 $0x2764, s29;
	s15 =	sadd.s32 $0x1C0, s15;
	s23 =	ssub.s32 s8, s26;
	v41 =	vand.u32 $0xFFFFFFF8, v17;
	v42 =	vand.u32 $0xFFFFFFF8, v22;
	v17 =	vadd.s32 v0, v21;
	[tilespmem:v39+s21+$0x0] =	vst.idx.msk $0xffff, v37;
	v22 =	vld.idx.msk [tilespmem:v11+s9+$0x0], $0xffff  }
0xf5: {  	s10 =	sadd.s32 $0x2764, s10;
	s26 =	sshrl.u32 s29, $0x10;
	s23 =	sshll.u32 s23, $0x6;
	v37 =	vand.u32 $0x4, v18;
	v39 =	vand.u32 $0xFFFFFFF8, v17;
	v46 =	vadd.s32 s15, v26;
	v11 =	vmovc v55;
	[tilespmem:v47+s21+$0x0] =	vst.idx.msk $0xffff, v35;
	v24 =	vld.idx.msk [tilespmem:v24+s9+$0x0], $0xffff  }
0xf6: {  	v43 =	vor.u32 v7, v20;
	s15 =	smul.u32 $0x1A, s26;
	s26 =	sshrl.u32 s10, $0x10;
	v26 =	vand.u32 $0x4, v19;
	v20 =	vbroadcast v46, $0x0;
	v27 =	vld.idx.msk [tilespmem:v27+s9+$0x0], $0xffff;
	[tilespmem:v8+s21+$0x0] =	vst.idx.msk $0xffff, v23  }
0xf7: {  	v44 =	vand.u32 $0x4, v21;
	s26 =	smul.u32 $0x1A, s26;
	v35 =	vmov s16;
	v23 =	vmov s20;
	v17 =	vmovc v34;
	v8 =	vmovc v15;
	v45 =	vld.idx.msk [tilespmem:v31+s9+$0x0], $0xffff;
	[tilespmem:v28+s21+$0x0] =	vst.idx.msk $0xffff, v30  }
0xf8: {  	v15 =	vmov s13;
	v28 =	vor.u32 v37, v41;
	v41 =	vor.u32 v1, v20;
	v31 =	vld.idx.msk [tilespmem:v25+s9+$0x0], $0xffff;
	[tilespmem:v48+s21+$0x0] =	vst.idx.msk $0xffff, v33  }
0xf9: {  	v42 =	vor.u32 v26, v42;
	v44 =	vor.u32 v44, v39;
	v39 =	vadd.s32 v2, v40;
	s13 =	ssub.s32 s12, s26;
	s12 =	ssub.s32 s12, s15;
	v26 =	vld.idx.msk [tilespmem:v49+s9+$0x0], $0xffff  }
0xfa: {  	v34 =	vmul.u32 $0x680, v15;
	s13 =	sshll.u32 s13, $0x6;
	v25 =	vmul.u32 $0x680, v23;
	s12 =	sshll.u32 s12, $0x6;
	v33 =	vmul.u32 $0x680, v35;
	[tilespmem:v12+s21+$0x0] =	vst.idx.msk $0xffff, v38;
	v23 =	vld.idx.msk [tilespmem:v10+s9+$0x0], $0xffff;
	v10 =	vmovc v51  }
0xfb: {  	v30 =	vadd.s32 v2, v19;
	v35 =	vadd.s32 v2, v18;
	s13 =	sadd.s32 $0x140, s13;
	s12 =	sadd.s32 $0x180, s12;
	v12 =	vmov v36;
	[tilespmem:v43+s21+$0x0] =	vst.idx.msk $0xffff, v24  }
.Ltmp4:
0xfc: {  	v15 =	vmovc v32;
	v36 =	vadd.s32 s23, v34;
	v25 =	vadd.s32 s13, v25;
	v33 =	vadd.s32 s12, v33;
	v24 =	vmovc v40;
	[tilespmem:v29+s21+$0x0] =	vst.idx.msk $0xffff, v27;
	(pc) =	sbr.rel @p2 .LBB2_9-.Ltmp4, $4  }
0xfd: {  	v34 =	vbroadcast v25, $0x0;
	v32 =	vbroadcast v33, $0x0;
	v33 =	vadd.s32 v2, v21;
	v37 =	vld.idx.msk [tilespmem:v28+s9+$0x0], $0xffff;
	[tilespmem:v41+s21+$0x0] =	vst.idx.msk $0xffff, v45  }
0xfe: {  	v36 =	vbroadcast v36, $0x0;
	v25 =	vadd.s32 v4, v19;
	v27 =	vadd.s32 v4, v18;
	v40 =	vld.idx.msk [tilespmem:v39+s9+$0x0], $0xffff  }
0xff: {  	v43 =	vor.u32 v3, v20;
	v41 =	vor.u32 v1, v34;
	v38 =	vor.u32 v1, v32;
	v39 =	vld.idx.msk [tilespmem:v42+s9+$0x0], $0xffff  }
0x100: {  	s30 =	sadd.s32 $0x40, s30;
	v45 =	vor.u32 v1, v36;
	v28 =	vor.u32 v3, v34;
	v42 =	vld.idx.msk [tilespmem:v44+s9+$0x0], $0xffff;
	v44 =	vadd.s32 v4, v24  }
0x101: {  	_ =	sdelay $0x3  }
0x102: {  	[tilespmem:v16+s21+$0x0] =	vst.idx.msk $0xffff, v31  }
0x103: {  	[tilespmem:v45+s21+$0x0] =	vst.idx.msk $0xffff, v37  }
0x104: {  	v63 =	vor.u32 v3, v36;
	v29 =	vld.idx.msk [tilespmem:v35+s9+$0x0], $0xffff;
	[tilespmem:v41+s21+$0x0] =	vst.idx.msk $0xffff, v39  }
0x105: {  	[tilespmem:v38+s21+$0x0] =	vst.idx.msk $0xffff, v42;
	v30 =	vld.idx.msk [tilespmem:v30+s9+$0x0], $0xffff  }
0x106: {  	[tilespmem:v14+s21+$0x0] =	vst.idx.msk $0xffff, v26;
	v42 =	vor.u32 v3, v32;
	v33 =	vld.idx.msk [tilespmem:v33+s9+$0x0], $0xffff  }
0x107: {  	[tilespmem:v9+s21+$0x0] =	vst.idx.msk $0xffff, v22;
	v45 =	vadd.s32 v4, v21  }
0x108: {  	v49 =	vld.idx.msk [tilespmem:v13+s9+$0x0], $0xffff;
	[tilespmem:v43+s21+$0x0] =	vst.idx.msk $0xffff, v40  }
0x109: {  	v47 =	vor.u32 v5, v20;
	v46 =	vld.idx.msk [tilespmem:v44+s9+$0x0], $0xffff;
	[tilespmem:v63+s21+$0x0] =	vst.idx.msk $0xffff, v29  }
0x10a: {  	v48 =	vadd.s32 v6, v24;
	v50 =	vor.u32 v5, v36;
	v16 =	vld.idx.msk [tilespmem:v27+s9+$0x0], $0xffff;
	[tilespmem:v28+s21+$0x0] =	vst.idx.msk $0xffff, v30  }
0x10b: {  	v51 =	vor.u32 v5, v34;
	v18 =	vadd.s32 v6, v18;
	v52 =	vld.idx.msk [tilespmem:v25+s9+$0x0], $0xffff;
	[tilespmem:v42+s21+$0x0] =	vst.idx.msk $0xffff, v33  }
0x10c: {  	v53 =	vor.u32 v5, v32;
	v19 =	vadd.s32 v6, v19;
	[tilespmem:v8+s21+$0x0] =	vst.idx.msk $0xffff, v23;
	v54 =	vld.idx.msk [tilespmem:v45+s9+$0x0], $0xffff  }
0x10d: {  	v55 =	vadd.s32 v6, v21;
	v8 =	vld.idx.msk [tilespmem:v11+s9+$0x0], $0xffff;
	[tilespmem:v12+s21+$0x0] =	vst.idx.msk $0xffff, v49  }
0x10e: {  	v57 =	vld.idx.msk [tilespmem:v10+s9+$0x0], $0xffff;
	[tilespmem:v47+s21+$0x0] =	vst.idx.msk $0xffff, v46  }
0x10f: {  	v56 =	vor.u32 v7, v20;
	v14 =	vld.idx.msk [tilespmem:v48+s9+$0x0], $0xffff;
	[tilespmem:v50+s21+$0x0] =	vst.idx.msk $0xffff, v16  }
0x110: {  	v58 =	vor.u32 v7, v36;
	v59 =	vld.idx.msk [tilespmem:v18+s9+$0x0], $0xffff;
	[tilespmem:v51+s21+$0x0] =	vst.idx.msk $0xffff, v52  }
0x111: {  	v60 =	vor.u32 v7, v34;
	[tilespmem:v53+s21+$0x0] =	vst.idx.msk $0xffff, v54;
	v61 =	vld.idx.msk [tilespmem:v19+s9+$0x0], $0xffff  }
0x112: {  	v62 =	vor.u32 v7, v32;
	s0 =	sadd.s32 s0, s6;
	[tilespmem:v17+s21+$0x0] =	vst.idx.msk $0xffff, v8;
	v63 =	vld.idx.msk [tilespmem:v55+s9+$0x0], $0xffff  }
0x113: {  	s0 =	smul.u32 $0xD0, s0;
	[tilespmem:v15+s21+$0x0] =	vst.idx.msk $0xffff, v57  }
.Ltmp5:
0x114: {  	[tilespmem:v56+s21+$0x0] =	vst.idx.msk $0xffff, v14;
	(pc) =	sbr.rel @p1 .LBB2_12-.Ltmp5, $4  }
0x115: {  	[tilespmem:v58+s21+$0x0] =	vst.idx.msk $0xffff, v59  }
0x116: {  	s0 =	sadd.s32 s2, s0;
	[tilespmem:v60+s21+$0x0] =	vst.idx.msk $0xffff, v61  }
0x117: {  	s5 =	sadd.s32 $0x340, s0;
	[tilespmem:v62+s21+$0x0] =	vst.idx.msk $0xffff, v63  }
0x118: {  	[hbm4b:s5+s3] =	stream.linear.scatter [tilespmem:s21], [sflag:$0x6], $0x1A00, $0x38;
	[tilespmem:$0xF600] =	vst v63  }
.Ltmp6:
0x119: {  	(pc) =	sbr.rel .LBB2_13-.Ltmp6, $4  }
0x11a: {  	_ = 	snop  }
0x11b: {  	_ =	swait.ge [sflag:s22], $0x680  }
0x11c: {  	[sflag:s22] =	ssyncset.done $0x0  }
0x11d: {  	[sflag:s22] =	ssyncadd.s32 $0xFFFFF980  }
.LBB2_12:
0x11e: {  	s5 =	smul.u32 $0x680, s31;
	_ =	sdelay $0x1  }
0x11f: {  	s5 =	sshra.s32 s5, $0x2  }
.Ltmp7:
0x120: {  	s7 =	simm.s32 $0x3A80;
	s5 =	sadd.s32 $0x208, s5;
	(pc) =	sbr.rel @p0 .LBB2_14-.Ltmp7, $4  }
0x121: {  	[tilespmem:s7], [sflag:$0x2] =	stream.indirect.gather [hbm4b:s4+s11], $0x10, s5, s11, $0xb8;
	[tilespmem:$0xF600] =	vst v63  }
0x122: {  	_ =	swait.ge [sflag:s22], $0x680  }
0x123: {  	[sflag:s22] =	ssyncset.done $0x0  }
0x124: {  	[sflag:s22] =	ssyncadd.s32 $0xFFFFF980  }
.LBB2_13:
0x125: {  	s5 =	simm.s32 $0x7  }
0x126: {  	_ =	swait.ge [sflag:s5], $0x1A00  }
0x127: {  	[sflag:s5] =	ssyncset.done $0x0  }
0x128: {  	[sflag:s5] =	ssyncadd.s32 $0xFFFFE600  }
.LBB2_14:
0x129: {  	s5 =	simm.s32 $0x4120  }
0x12a: {  	v8 =	vld [tilespmem:s5+$0x10]  }
0x12b: {  	v9 =	vld [tilespmem:s5+$0xFFFFFFE0]  }
0x12c: {  	v10 =	vld [tilespmem:s5+$0xFFFFFFF0]  }
0x12d: {  	v11 =	vld [tilespmem:s5+$0x0];
	_ =	sdelay $0x1  }
0x12e: {  	s7 =	simm.s32 $0x0;
	s20 =	simm.s32 $0x0;
	s10 =	simm.s32 $0x0  }
0x12f: {  	s23 =	simm.s32 $0x0;
	v14 =	vmov s7;
	v19 =	vmov s20;
	v20 =	vmov s10  }
0x130: {  	v22 =	vmov s23;
	v12 =	vshll.u32 v8, $0x2;
	v8 =	vshll.u32 v9, $0x2  }
0x131: {  	v10 =	vshll.u32 v10, $0x2;
	v11 =	vshll.u32 v11, $0x2;
	v9 =	vadd.s32 v0, v12  }
0x132: {  	s15 =	simm.s32 $0x0;
	v13 =	vand.u32 $0x4, v12;
	v15 =	vadd.s32 v0, v10;
	v16 =	vadd.s32 v0, v11  }
0x133: {  	s5 =	smul.u32 $0x1A, s15;
	v17 =	vand.u32 $0x4, v8;
	v18 =	vand.u32 $0x4, v10;
	v21 =	vand.u32 $0x4, v11  }
0x134: {  	v23 =	vadd.s32 v2, v12;
	v24 =	vadd.s32 v2, v10;
	v27 =	vadd.s32 v4, v8  }
0x135: {  	s16 =	simm.s32 $0x0;
	s5 =	ssub.s32 $0xFFFFFFFC, s5;
	v29 =	vadd.s32 v4, v10;
	v36 =	vadd.s32 v4, v12;
	v9 =	vand.u32 $0xFFFFFFF8, v9  }
0x136: {  	s8 =	simm.s32 $0x0;
	s7 =	smul.u32 $0x1A, s16;
	s5 =	sshll.u32 s5, $0x6;
	v15 =	vand.u32 $0xFFFFFFF8, v15;
	v9 =	vor.u32 v13, v9;
	v13 =	vmul.u32 $0x680, v14  }
0x137: {  	s8 =	smul.u32 $0x1A, s8;
	s5 =	sadd.s32 $0x1C0, s5;
	v16 =	vand.u32 $0xFFFFFFF8, v16;
	v14 =	vadd.s32 v0, v8;
	v15 =	vor.u32 v18, v15  }
0x138: {  	s26 =	smul.u32 $0x1A, s23;
	s7 =	ssub.s32 $0xFFFFFFFC, s7;
	v18 =	vmul.u32 $0x680, v19;
	v19 =	vmul.u32 $0x680, v20;
	v13 =	vadd.s32 s5, v13  }
0x139: {  	s12 =	simm.s32 $0x4160;
	s7 =	sshll.u32 s7, $0x6;
	v16 =	vor.u32 v21, v16;
	v14 =	vand.u32 $0xFFFFFFF8, v14;
	v13 =	vbroadcast v13, $0x0  }
0x13a: {  	v35 =	vld [tilespmem:s12+$0x10];
	s8 =	ssub.s32 $0xFFFFFFFC, s8;
	s10 =	ssub.s32 $0x0, s26;
	s7 =	sadd.s32 $0x180, s7;
	v40 =	vadd.s32 v4, v11;
	v20 =	vmul.u32 $0x680, v22;
	v14 =	vor.u32 v17, v14  }
0x13b: {  	v26 =	vadd.s32 v6, v8;
	s5 =	sshll.u32 s8, $0x6;
	s8 =	sshll.u32 s10, $0x6;
	v19 =	vadd.s32 s7, v19;
	v9 =	vld.idx.msk [tilespmem:v9+s9+$0x0], $0xffff;
	v17 =	vor.u32 v1, v13  }
0x13c: {  	v43 =	vld [tilespmem:s12+$0xFFFFFFF0];
	v12 =	vadd.s32 v6, v12;
	s5 =	sadd.s32 $0x140, s5;
	v20 =	vadd.s32 s8, v20;
	v19 =	vbroadcast v19, $0x0  }
0x13d: {  	v18 =	vadd.s32 s5, v18;
	v25 =	vbroadcast v20, $0x0;
	v20 =	vadd.s32 v6, v10;
	v10 =	vld [tilespmem:s12+$0x0]  }
0x13e: {  	v21 =	vadd.s32 v2, v8;
	v18 =	vbroadcast v18, $0x0;
	v31 =	vor.u32 v1, v19;
	v16 =	vld.idx.msk [tilespmem:v16+s9+$0x0], $0xffff  }
0x13f: {  	s14 =	simm.s32 $0x0;
	v32 =	vor.u32 v3, v13;
	v38 =	vor.u32 v3, v19;
	v33 =	vor.u32 v1, v25;
	v14 =	vld.idx.msk [tilespmem:v14+s9+$0x0], $0xffff  }
0x140: {  	v53 =	vmov s14;
	v15 =	vld.idx.msk [tilespmem:v15+s9+$0x0], $0xffff;
	v22 =	vor.u32 v5, v19;
	v30 =	vor.u32 v1, v18;
	[tilespmem:v17+s24+$0x0] =	vst.idx.msk $0xffff, v9  }
0x141: {  	v8 =	vor.u32 v7, v19;
	v19 =	vshll.u32 v35, $0x2;
	v37 =	vor.u32 v3, v25;
	v28 =	vld.idx.msk [tilespmem:v23+s9+$0x0], $0xffff  }
0x142: {  	v41 =	vor.u32 v5, v25;
	v25 =	vor.u32 v7, v25;
	v51 =	vadd.s32 v0, v19  }
0x143: {  	s13 =	simm.s32 $0x0;
	v54 =	vmul.u32 $0x680, v53;
	v57 =	vadd.s32 v2, v19;
	v45 =	vadd.s32 v4, v19;
	[tilespmem:v31+s24+$0x0] =	vst.idx.msk $0xffff, v16  }
0x144: {  	v39 =	vld [tilespmem:s12+$0xFFFFFFE0];
	s5 =	smul.u32 $0x1A, s13;
	v35 =	vshll.u32 v43, $0x2;
	v34 =	vor.u32 v3, v18;
	v42 =	vor.u32 v5, v18;
	[tilespmem:v33+s24+$0x0] =	vst.idx.msk $0xffff, v14  }
0x145: {  	v52 =	vand.u32 $0x4, v19;
	v10 =	vshll.u32 v10, $0x2;
	v17 =	vadd.s32 v2, v11;
	[tilespmem:v30+s24+$0x0] =	vst.idx.msk $0xffff, v15;
	v21 =	vld.idx.msk [tilespmem:v21+s9+$0x0], $0xffff  }
0x146: {  	s5 =	ssub.s32 $0x0, s5;
	v9 =	vor.u32 v7, v18;
	v31 =	vadd.s32 v0, v10;
	v16 =	vld.idx.msk [tilespmem:v24+s9+$0x0], $0xffff;
	[tilespmem:v32+s24+$0x0] =	vst.idx.msk $0xffff, v28  }
0x147: {  	s5 =	sshll.u32 s5, $0x6;
	v56 =	vand.u32 $0x4, v10;
	v23 =	vadd.s32 v6, v11;
	v11 =	vor.u32 v5, v13;
	v18 =	vld.idx.msk [tilespmem:v36+s9+$0x0], $0xffff  }
0x148: {  	s5 =	sadd.s32 $0x1C0, s5;
	v49 =	vadd.s32 v4, v10;
	v14 =	vand.u32 $0xFFFFFFF8, v51;
	v30 =	vadd.s32 v0, v35  }
0x149: {  	v14 =	vor.u32 v52, v14;
	v24 =	vand.u32 $0xFFFFFFF8, v30;
	v30 =	vadd.s32 s5, v54  }
0x14a: {  	s12 =	simm.s32 $0x0;
	v13 =	vor.u32 v7, v13;
	v30 =	vbroadcast v30, $0x0;
	v17 =	vld.idx.msk [tilespmem:v17+s9+$0x0], $0xffff;
	v28 =	vshll.u32 v39, $0x2;
	[tilespmem:v37+s24+$0x0] =	vst.idx.msk $0xffff, v21  }
0x14b: {  	v55 =	vmov s12;
	v32 =	vadd.s32 v2, v35;
	v15 =	vadd.s32 v0, v28;
	[tilespmem:v34+s24+$0x0] =	vst.idx.msk $0xffff, v16;
	v27 =	vld.idx.msk [tilespmem:v27+s9+$0x0], $0xffff  }
0x14c: {  	s20 =	simm.s32 $0x0;
	v36 =	vadd.s32 v4, v35;
	v15 =	vand.u32 $0xFFFFFFF8, v15;
	v29 =	vld.idx.msk [tilespmem:v29+s9+$0x0], $0xffff;
	[tilespmem:v11+s24+$0x0] =	vst.idx.msk $0xffff, v18;
	v11 =	vand.u32 $0x4, v28  }
0x14d: {  	s16 =	simm.s32 $0x0;
	s23 =	simm.s32 $0x0;
	s8 =	smul.u32 $0x1A, s20;
	v18 =	vand.u32 $0xFFFFFFF8, v31;
	v31 =	vand.u32 $0x4, v35;
	v12 =	vld.idx.msk [tilespmem:v12+s9+$0x0], $0xffff;
	v11 =	vor.u32 v11, v15  }
0x14e: {  	s15 =	simm.s32 $0x0;
	s26 =	smul.u32 $0x1A, s23;
	v21 =	vmov s16;
	v14 =	vld.idx.msk [tilespmem:v14+s9+$0x0], $0xffff;
	v15 =	vor.u32 v1, v30;
	v24 =	vor.u32 v31, v24  }
0x14f: {  	s8 =	ssub.s32 $0x0, s8;
	s5 =	smul.u32 $0x1A, s15;
	v16 =	vmov s23;
	v34 =	vadd.s32 v4, v28;
	v21 =	vmul.u32 $0x680, v21;
	[tilespmem:v38+s24+$0x0] =	vst.idx.msk $0xffff, v17  }
0x150: {  	s7 =	ssub.s32 $0x4, s26;
	s8 =	sshll.u32 s8, $0x6;
	v16 =	vmul.u32 $0x680, v16;
	v17 =	vor.u32 v56, v18;
	v18 =	vmul.u32 $0x680, v55;
	[tilespmem:v41+s24+$0x0] =	vst.idx.msk $0xffff, v27  }
0x151: {  	s7 =	sshll.u32 s7, $0x6;
	s8 =	sadd.s32 $0x180, s8;
	s5 =	ssub.s32 $0x0, s5;
	v31 =	vadd.s32 v2, v28;
	v56 =	vor.u32 v5, v30;
	[tilespmem:v42+s24+$0x0] =	vst.idx.msk $0xffff, v29;
	v29 =	vld.idx.msk [tilespmem:v40+s9+$0x0], $0xffff  }
0x152: {  	s5 =	sshll.u32 s5, $0x6;
	v55 =	vor.u32 v7, v30;
	[tilespmem:v13+s24+$0x0] =	vst.idx.msk $0xffff, v12;
	v13 =	vadd.s32 s7, v16;
	v16 =	vadd.s32 s8, v18;
	v18 =	vld.idx.msk [tilespmem:v11+s9+$0x0], $0xffff  }
0x153: {  	s5 =	sadd.s32 $0x140, s5;
	v27 =	vadd.s32 v2, v10;
	v10 =	vadd.s32 v6, v10;
	[tilespmem:v15+s24+$0x0] =	vst.idx.msk $0xffff, v14;
	v59 =	vld.idx.msk [tilespmem:v24+s9+$0x0], $0xffff  }
0x154: {  	v12 =	vadd.s32 s5, v21;
	v24 =	vor.u32 v3, v30;
	s8 =	simm.s32 $0x41A0;
	v21 =	vbroadcast v13, $0x0;
	v58 =	vld.idx.msk [tilespmem:v57+s9+$0x0], $0xffff  }
0x155: {  	v11 =	vadd.s32 v6, v35;
	v12 =	vbroadcast v12, $0x0;
	v16 =	vbroadcast v16, $0x0;
	v46 =	vld [tilespmem:s8+$0x10]  }
0x156: {  	v50 =	vld [tilespmem:s8+$0xFFFFFFE0];
	v13 =	vadd.s32 v6, v28;
	[tilespmem:v22+s24+$0x0] =	vst.idx.msk $0xffff, v29;
	v62 =	vor.u32 v1, v21  }
0x157: {  	v52 =	vld [tilespmem:s8+$0xFFFFFFF0];
	v60 =	vor.u32 v1, v12;
	v61 =	vor.u32 v1, v16;
	v44 =	vor.u32 v3, v12  }
0x158: {  	v28 =	vld [tilespmem:s8+$0x0];
	v47 =	vor.u32 v3, v21;
	v48 =	vor.u32 v3, v16;
	v51 =	vor.u32 v5, v21  }
0x159: {  	v63 =	vld.idx.msk [tilespmem:v17+s9+$0x0], $0xffff;
	v15 =	vor.u32 v5, v12;
	v14 =	vor.u32 v5, v16;
	v17 =	vor.u32 v7, v12  }
0x15a: {  	s10 =	simm.s32 $0x0;
	s13 =	simm.s32 $0x0;
	v12 =	vor.u32 v7, v21;
	v16 =	vor.u32 v7, v16;
	[tilespmem:v24+s24+$0x0] =	vst.idx.msk $0xffff, v58;
	v24 =	vshll.u32 v46, $0x2  }
0x15b: {  	s5 =	smul.u32 $0x1A, s10;
	v30 =	vmov s13;
	v29 =	vld.idx.msk [tilespmem:v26+s9+$0x0], $0xffff;
	v58 =	vadd.s32 v6, v19;
	v21 =	vadd.s32 v0, v24;
	[tilespmem:v62+s24+$0x0] =	vst.idx.msk $0xffff, v18  }
0x15c: {  	s12 =	simm.s32 $0x0;
	v19 =	vshll.u32 v52, $0x2;
	v57 =	vld.idx.msk [tilespmem:v45+s9+$0x0], $0xffff;
	v18 =	vshll.u32 v50, $0x2;
	[tilespmem:v60+s24+$0x0] =	vst.idx.msk $0xffff, v59;
	v59 =	vand.u32 $0xFFFFFFF8, v21  }
0x15d: {  	v22 =	vld.idx.msk [tilespmem:v20+s9+$0x0], $0xffff;
	s5 =	ssub.s32 $0x4, s5;
	v60 =	vand.u32 $0x4, v24;
	v21 =	vshll.u32 v28, $0x2;
	v28 =	vmov s12  }
0x15e: {  	s5 =	sshll.u32 s5, $0x6;
	v62 =	vadd.s32 v0, v19;
	v31 =	vld.idx.msk [tilespmem:v31+s9+$0x0], $0xffff;
	v37 =	vor.u32 v60, v59;
	v28 =	vmul.u32 $0x680, v28  }
0x15f: {  	s5 =	sadd.s32 $0x1C0, s5;
	v54 =	vand.u32 $0x4, v19;
	[tilespmem:v61+s24+$0x0] =	vst.idx.msk $0xffff, v63;
	v32 =	vld.idx.msk [tilespmem:v32+s9+$0x0], $0xffff;
	v61 =	vadd.s32 v0, v18;
	v63 =	vand.u32 $0xFFFFFFF8, v62  }
0x160: {  	s20 =	simm.s32 $0x0;
	v27 =	vld.idx.msk [tilespmem:v27+s9+$0x0], $0xffff;
	v50 =	vadd.s32 v0, v21;
	v52 =	vand.u32 $0x4, v18;
	v20 =	vadd.s32 s5, v28  }
0x161: {  	s16 =	simm.s32 $0x0;
	s23 =	smul.u32 $0x1A, s20;
	v62 =	vmul.u32 $0x680, v30;
	v35 =	vadd.s32 v2, v18;
	[tilespmem:v56+s24+$0x0] =	vst.idx.msk $0xffff, v57;
	v20 =	vbroadcast v20, $0x0  }
0x162: {  	s14 =	simm.s32 $0x0;
	s10 =	smul.u32 $0x1A, s16;
	[tilespmem:v25+s24+$0x0] =	vst.idx.msk $0xffff, v29;
	v30 =	vadd.s32 v2, v19;
	v26 =	vand.u32 $0xFFFFFFF8, v61;
	v53 =	vand.u32 $0xFFFFFFF8, v50;
	v28 =	vld.idx.msk [tilespmem:v58+s9+$0x0], $0xffff  }
0x163: {  	s8 =	smul.u32 $0x1A, s14;
	v38 =	vor.u32 v54, v63;
	[tilespmem:v47+s24+$0x0] =	vst.idx.msk $0xffff, v31;
	v58 =	vld.idx.msk [tilespmem:v37+s9+$0x0], $0xffff;
	v60 =	vor.u32 v1, v20  }
0x164: {  	s15 =	simm.s32 $0x0;
	v59 =	vmov s20;
	v61 =	vadd.s32 v2, v24;
	v33 =	vor.u32 v52, v26;
	[tilespmem:v44+s24+$0x0] =	vst.idx.msk $0xffff, v32;
	v34 =	vld.idx.msk [tilespmem:v34+s9+$0x0], $0xffff  }
0x165: {  	s26 =	ssub.s32 $0x4, s10;
	v23 =	vld.idx.msk [tilespmem:v23+s9+$0x0], $0xffff;
	s8 =	ssub.s32 $0x4, s8;
	s5 =	ssub.s32 $0x8, s23;
	v56 =	vmov s15;
	v57 =	vand.u32 $0x4, v21;
	[tilespmem:v48+s24+$0x0] =	vst.idx.msk $0xffff, v27;
	v27 =	vmul.u32 $0x680, v59  }
0x166: {  	s7 =	sshll.u32 s26, $0x6;
	s8 =	sshll.u32 s8, $0x6;
	s5 =	sshll.u32 s5, $0x6;
	v42 =	vor.u32 v57, v53;
	v63 =	vmul.u32 $0x680, v56;
	v43 =	vor.u32 v3, v20;
	v31 =	vld.idx.msk [tilespmem:v36+s9+$0x0], $0xffff  }
0x167: {  	s7 =	sadd.s32 $0x140, s7;
	s8 =	sadd.s32 $0x180, s8;
	v44 =	vadd.s32 v4, v24;
	v26 =	vld.idx.msk [tilespmem:v49+s9+$0x0], $0xffff;
	v25 =	vadd.s32 s5, v27;
	[tilespmem:v55+s24+$0x0] =	vst.idx.msk $0xffff, v28  }
0x168: {  	v39 =	vld.idx.msk [tilespmem:v38+s9+$0x0], $0xffff;
	v27 =	vadd.s32 s7, v62;
	v36 =	vbroadcast v25, $0x0;
	v28 =	vadd.s32 s8, v63;
	[tilespmem:v60+s24+$0x0] =	vst.idx.msk $0xffff, v58  }
0x169: {  	s29 =	simm.s32 $0x627A;
	v37 =	vld.idx.msk [tilespmem:v33+s9+$0x0], $0xffff;
	v33 =	vadd.s32 v2, v21;
	v32 =	vbroadcast v28, $0x0;
	[tilespmem:v51+s24+$0x0] =	vst.idx.msk $0xffff, v34;
	v34 =	vbroadcast v27, $0x0  }
0x16a: {  	s30 =	simm.s32 $0x41E0;
	s14 =	simm.s32 $0x8;
	s10 =	simm.s32 $0x58A1;
	v25 =	vadd.s32 v4, v19;
	v45 =	vor.u32 v1, v36;
	v27 =	vadd.s32 v4, v18;
	v40 =	vld.idx.msk [tilespmem:v61+s9+$0x0], $0xffff  }
0x16b: {  	s5 =	simm.s32 $0x6C53;
	s7 =	simm.s32 $0x4EC8;
	s8 =	simm.s32 $0x8;
	v42 =	vld.idx.msk [tilespmem:v42+s9+$0x0], $0xffff;
	v38 =	vor.u32 v1, v32;
	v41 =	vor.u32 v1, v34;
	v28 =	vor.u32 v3, v34  }
.LBB2_15:
0x16c: {  	v46 =	vld [tilespmem:s30+$0x10];
	v47 =	vor.u32 v3, v36;
	v48 =	vor.u32 v3, v32;
	v49 =	vadd.s32 v4, v21;
	s12 =	smov.u32 s14;
	s14 =	sadd.s32 $0x4, s14  }
0x16d: {  	v29 =	vor.u32 v5, v36;
	v51 =	vor.u32 v5, v34;
	v52 =	vor.u32 v5, v32;
	v50 =	vld [tilespmem:s30+$0xFFFFFFE0];
	p2 =	slt.u32 s14, $0x64  }
0x16e: {  	v54 =	vadd.s32 v6, v18;
	v55 =	vadd.s32 v6, v19;
	v53 =	vld [tilespmem:s30+$0xFFFFFFF0];
	[tilespmem:v15+s24+$0x0] =	vst.idx.msk $0xffff, v31;
	v15 =	vmov v51  }
0x16f: {  	v34 =	vor.u32 v7, v34;
	v51 =	vadd.s32 v6, v21;
	v31 =	vld [tilespmem:s30+$0x0];
	[tilespmem:v43+s24+$0x0] =	vst.idx.msk $0xffff, v40  }
0x170: {  	v36 =	vor.u32 v7, v36;
	v32 =	vor.u32 v7, v32;
	s5 =	sadd.s32 $0x2764, s5;
	[tilespmem:v45+s24+$0x0] =	vst.idx.msk $0xffff, v37;
	v37 =	vld.idx.msk [tilespmem:v44+s9+$0x0], $0xffff  }
0x171: {  	s7 =	sadd.s32 $0x2764, s7;
	s13 =	sshrl.u32 s5, $0x10;
	v40 =	vshll.u32 v46, $0x2;
	v35 =	vld.idx.msk [tilespmem:v35+s9+$0x0], $0xffff;
	[tilespmem:v41+s24+$0x0] =	vst.idx.msk $0xffff, v39;
	v39 =	vor.u32 v5, v20  }
0x172: {  	v24 =	vadd.s32 v6, v24;
	s16 =	sadd.s32 $0x1D8B, s7;
	s15 =	smul.u32 $0x1A, s13;
	s13 =	sshrl.u32 s7, $0x10;
	v18 =	vshll.u32 v50, $0x2;
	v21 =	vadd.s32 v0, v40;
	[tilespmem:v38+s24+$0x0] =	vst.idx.msk $0xffff, v42  }
0x173: {  	s20 =	sadd.s32 $0x9D9, s7;
	s23 =	sadd.s32 $0x13B2, s7;
	s16 =	sshrl.u32 s16, $0x10;
	v41 =	vand.u32 $0x4, v40;
	v19 =	vshll.u32 v53, $0x2;
	v38 =	vand.u32 $0xFFFFFFF8, v21;
	v30 =	vld.idx.msk [tilespmem:v30+s9+$0x0], $0xffff;
	[tilespmem:v14+s24+$0x0] =	vst.idx.msk $0xffff, v26;
	v14 =	vmovc v52  }
0x174: {  	s20 =	sshrl.u32 s20, $0x10;
	s26 =	smul.u32 $0x1A, s13;
	s15 =	ssub.s32 s12, s15;
	v26 =	vmov s16;
	v21 =	vshll.u32 v31, $0x2;
	v31 =	vor.u32 v41, v38;
	v33 =	vld.idx.msk [tilespmem:v33+s9+$0x0], $0xffff;
	[tilespmem:v9+s24+$0x0] =	vst.idx.msk $0xffff, v22;
	v9 =	vmovc v17  }
0x175: {  	s8 =	sadd.s32 $0x4, s8;
	s15 =	sshll.u32 s15, $0x6;
	s16 =	sshrl.u32 s23, $0x10;
	v17 =	vadd.s32 v0, v18;
	v22 =	vadd.s32 v0, v19;
	v26 =	vmul.u32 $0x680, v26;
	v38 =	vld.idx.msk [tilespmem:v13+s9+$0x0], $0xffff;
	v13 =	vmovc v54  }
0x176: {  	s29 =	sadd.s32 $0x2764, s29;
	s15 =	sadd.s32 $0x1C0, s15;
	s23 =	ssub.s32 s8, s26;
	v41 =	vand.u32 $0xFFFFFFF8, v17;
	v42 =	vand.u32 $0xFFFFFFF8, v22;
	v17 =	vadd.s32 v0, v21;
	[tilespmem:v39+s24+$0x0] =	vst.idx.msk $0xffff, v37;
	v22 =	vld.idx.msk [tilespmem:v11+s9+$0x0], $0xffff  }
0x177: {  	s10 =	sadd.s32 $0x2764, s10;
	s26 =	sshrl.u32 s29, $0x10;
	s23 =	sshll.u32 s23, $0x6;
	v37 =	vand.u32 $0x4, v18;
	v39 =	vand.u32 $0xFFFFFFF8, v17;
	v46 =	vadd.s32 s15, v26;
	v11 =	vmovc v55;
	[tilespmem:v47+s24+$0x0] =	vst.idx.msk $0xffff, v35;
	v24 =	vld.idx.msk [tilespmem:v24+s9+$0x0], $0xffff  }
0x178: {  	v43 =	vor.u32 v7, v20;
	s15 =	smul.u32 $0x1A, s26;
	s26 =	sshrl.u32 s10, $0x10;
	v26 =	vand.u32 $0x4, v19;
	v20 =	vbroadcast v46, $0x0;
	v27 =	vld.idx.msk [tilespmem:v27+s9+$0x0], $0xffff;
	[tilespmem:v8+s24+$0x0] =	vst.idx.msk $0xffff, v23  }
0x179: {  	v44 =	vand.u32 $0x4, v21;
	s26 =	smul.u32 $0x1A, s26;
	v35 =	vmov s16;
	v23 =	vmov s20;
	v17 =	vmovc v34;
	v8 =	vmovc v16;
	v45 =	vld.idx.msk [tilespmem:v31+s9+$0x0], $0xffff;
	[tilespmem:v28+s24+$0x0] =	vst.idx.msk $0xffff, v30  }
0x17a: {  	v16 =	vmov s13;
	v28 =	vor.u32 v37, v41;
	v41 =	vor.u32 v1, v20;
	v31 =	vld.idx.msk [tilespmem:v25+s9+$0x0], $0xffff;
	[tilespmem:v48+s24+$0x0] =	vst.idx.msk $0xffff, v33  }
0x17b: {  	v42 =	vor.u32 v26, v42;
	v44 =	vor.u32 v44, v39;
	v39 =	vadd.s32 v2, v40;
	s13 =	ssub.s32 s12, s26;
	s12 =	ssub.s32 s12, s15;
	v26 =	vld.idx.msk [tilespmem:v49+s9+$0x0], $0xffff  }
0x17c: {  	v34 =	vmul.u32 $0x680, v16;
	s13 =	sshll.u32 s13, $0x6;
	v25 =	vmul.u32 $0x680, v23;
	s12 =	sshll.u32 s12, $0x6;
	v33 =	vmul.u32 $0x680, v35;
	[tilespmem:v12+s24+$0x0] =	vst.idx.msk $0xffff, v38;
	v23 =	vld.idx.msk [tilespmem:v10+s9+$0x0], $0xffff;
	v10 =	vmovc v51  }
0x17d: {  	v30 =	vadd.s32 v2, v19;
	v35 =	vadd.s32 v2, v18;
	s13 =	sadd.s32 $0x140, s13;
	s12 =	sadd.s32 $0x180, s12;
	v12 =	vmov v36;
	[tilespmem:v43+s24+$0x0] =	vst.idx.msk $0xffff, v24  }
.Ltmp8:
0x17e: {  	v16 =	vmovc v32;
	v36 =	vadd.s32 s23, v34;
	v25 =	vadd.s32 s13, v25;
	v33 =	vadd.s32 s12, v33;
	v24 =	vmovc v40;
	[tilespmem:v29+s24+$0x0] =	vst.idx.msk $0xffff, v27;
	(pc) =	sbr.rel @p2 .LBB2_15-.Ltmp8, $4  }
0x17f: {  	v34 =	vbroadcast v25, $0x0;
	v32 =	vbroadcast v33, $0x0;
	v33 =	vadd.s32 v2, v21;
	v37 =	vld.idx.msk [tilespmem:v28+s9+$0x0], $0xffff;
	[tilespmem:v41+s24+$0x0] =	vst.idx.msk $0xffff, v45  }
0x180: {  	v36 =	vbroadcast v36, $0x0;
	v25 =	vadd.s32 v4, v19;
	v27 =	vadd.s32 v4, v18;
	v40 =	vld.idx.msk [tilespmem:v39+s9+$0x0], $0xffff  }
0x181: {  	v43 =	vor.u32 v3, v20;
	v41 =	vor.u32 v1, v34;
	v38 =	vor.u32 v1, v32;
	v39 =	vld.idx.msk [tilespmem:v42+s9+$0x0], $0xffff  }
0x182: {  	s30 =	sadd.s32 $0x40, s30;
	v45 =	vor.u32 v1, v36;
	v28 =	vor.u32 v3, v34;
	v42 =	vld.idx.msk [tilespmem:v44+s9+$0x0], $0xffff;
	v44 =	vadd.s32 v4, v24  }
0x183: {  	_ =	sdelay $0x3  }
0x184: {  	[tilespmem:v15+s24+$0x0] =	vst.idx.msk $0xffff, v31  }
0x185: {  	[tilespmem:v45+s24+$0x0] =	vst.idx.msk $0xffff, v37  }
0x186: {  	v63 =	vor.u32 v3, v36;
	v29 =	vld.idx.msk [tilespmem:v35+s9+$0x0], $0xffff;
	[tilespmem:v41+s24+$0x0] =	vst.idx.msk $0xffff, v39  }
0x187: {  	[tilespmem:v38+s24+$0x0] =	vst.idx.msk $0xffff, v42;
	v30 =	vld.idx.msk [tilespmem:v30+s9+$0x0], $0xffff  }
0x188: {  	[tilespmem:v14+s24+$0x0] =	vst.idx.msk $0xffff, v26;
	v42 =	vor.u32 v3, v32;
	v33 =	vld.idx.msk [tilespmem:v33+s9+$0x0], $0xffff  }
0x189: {  	[tilespmem:v9+s24+$0x0] =	vst.idx.msk $0xffff, v22;
	v45 =	vadd.s32 v4, v21  }
0x18a: {  	v49 =	vld.idx.msk [tilespmem:v13+s9+$0x0], $0xffff;
	[tilespmem:v43+s24+$0x0] =	vst.idx.msk $0xffff, v40  }
0x18b: {  	v47 =	vor.u32 v5, v20;
	v46 =	vld.idx.msk [tilespmem:v44+s9+$0x0], $0xffff;
	[tilespmem:v63+s24+$0x0] =	vst.idx.msk $0xffff, v29  }
0x18c: {  	v48 =	vadd.s32 v6, v24;
	v50 =	vor.u32 v5, v36;
	v15 =	vld.idx.msk [tilespmem:v27+s9+$0x0], $0xffff;
	[tilespmem:v28+s24+$0x0] =	vst.idx.msk $0xffff, v30  }
0x18d: {  	v51 =	vor.u32 v5, v34;
	v18 =	vadd.s32 v6, v18;
	v52 =	vld.idx.msk [tilespmem:v25+s9+$0x0], $0xffff;
	[tilespmem:v42+s24+$0x0] =	vst.idx.msk $0xffff, v33  }
0x18e: {  	v53 =	vor.u32 v5, v32;
	v19 =	vadd.s32 v6, v19;
	[tilespmem:v8+s24+$0x0] =	vst.idx.msk $0xffff, v23;
	v54 =	vld.idx.msk [tilespmem:v45+s9+$0x0], $0xffff  }
0x18f: {  	v55 =	vadd.s32 v6, v21;
	v8 =	vld.idx.msk [tilespmem:v11+s9+$0x0], $0xffff;
	[tilespmem:v12+s24+$0x0] =	vst.idx.msk $0xffff, v49  }
0x190: {  	v57 =	vld.idx.msk [tilespmem:v10+s9+$0x0], $0xffff;
	[tilespmem:v47+s24+$0x0] =	vst.idx.msk $0xffff, v46  }
0x191: {  	v56 =	vor.u32 v7, v20;
	v14 =	vld.idx.msk [tilespmem:v48+s9+$0x0], $0xffff;
	[tilespmem:v50+s24+$0x0] =	vst.idx.msk $0xffff, v15  }
0x192: {  	v58 =	vor.u32 v7, v36;
	v59 =	vld.idx.msk [tilespmem:v18+s9+$0x0], $0xffff;
	[tilespmem:v51+s24+$0x0] =	vst.idx.msk $0xffff, v52  }
0x193: {  	v60 =	vor.u32 v7, v34;
	[tilespmem:v53+s24+$0x0] =	vst.idx.msk $0xffff, v54;
	v61 =	vld.idx.msk [tilespmem:v19+s9+$0x0], $0xffff  }
0x194: {  	v62 =	vor.u32 v7, v32;
	[tilespmem:v17+s24+$0x0] =	vst.idx.msk $0xffff, v8;
	v63 =	vld.idx.msk [tilespmem:v55+s9+$0x0], $0xffff  }
0x195: {  	[tilespmem:v16+s24+$0x0] =	vst.idx.msk $0xffff, v57  }
.Ltmp9:
0x196: {  	[tilespmem:v56+s24+$0x0] =	vst.idx.msk $0xffff, v14;
	(pc) =	sbr.rel @p1 .LBB2_18-.Ltmp9, $4  }
0x197: {  	[tilespmem:v58+s24+$0x0] =	vst.idx.msk $0xffff, v59  }
0x198: {  	[tilespmem:v60+s24+$0x0] =	vst.idx.msk $0xffff, v61  }
0x199: {  	s0 =	sadd.s32 $0x680, s0;
	[tilespmem:v62+s24+$0x0] =	vst.idx.msk $0xffff, v63  }
0x19a: {  	[hbm4b:s0+s3] =	stream.linear.scatter [tilespmem:s24], [sflag:$0x7], $0x1A00, $0x38;
	[tilespmem:$0xF600] =	vst v63  }
.Ltmp10:
0x19b: {  	(pc) =	sbr.rel .LBB2_19-.Ltmp10, $4  }
0x19c: {  	_ = 	snop  }
0x19d: {  	_ =	swait.ge [sflag:s25], $0x680  }
0x19e: {  	[sflag:s25] =	ssyncset.done $0x0  }
0x19f: {  	[sflag:s25] =	ssyncadd.s32 $0xFFFFF980  }
.LBB2_18:
0x1a0: {  	s0 =	smul.u32 $0x680, s31;
	_ =	sdelay $0x1  }
0x1a1: {  	s0 =	sshra.s32 s0, $0x2  }
.Ltmp11:
0x1a2: {  	s5 =	simm.s32 $0x4100;
	s0 =	sadd.s32 $0x270, s0;
	(pc) =	sbr.rel @p0 .LBB2_20-.Ltmp11, $4  }
0x1a3: {  	[tilespmem:s5], [sflag:$0x3] =	stream.indirect.gather [hbm4b:s4+s11], $0x10, s0, s11, $0xb8;
	[tilespmem:$0xF600] =	vst v63  }
0x1a4: {  	_ =	swait.ge [sflag:s25], $0x680  }
0x1a5: {  	[sflag:s25] =	ssyncset.done $0x0  }
0x1a6: {  	[sflag:s25] =	ssyncadd.s32 $0xFFFFF980  }
.LBB2_19:
0x1a7: {  	s0 =	simm.s32 $0x8  }
0x1a8: {  	_ =	swait.ge [sflag:s0], $0x1A00  }
0x1a9: {  	[sflag:s0] =	ssyncset.done $0x0  }
0x1aa: {  	[sflag:s0] =	ssyncadd.s32 $0xFFFFE600  }
.LBB2_20:
0x1ab: {  	s0 =	simm.s32 $0x47A0  }
0x1ac: {  	v8 =	vld [tilespmem:s0+$0x10]  }
0x1ad: {  	v9 =	vld [tilespmem:s0+$0xFFFFFFE0]  }
0x1ae: {  	v10 =	vld [tilespmem:s0+$0xFFFFFFF0]  }
0x1af: {  	v11 =	vld [tilespmem:s0+$0x0]  }
0x1b0: {  	s5 =	simm.s32 $0x0;
	s23 =	simm.s32 $0x0  }
0x1b1: {  	s8 =	simm.s32 $0x0;
	s26 =	simm.s32 $0x0;
	s15 =	simm.s32 $0x0;
	v14 =	vmov s5;
	v19 =	vmov s23  }
0x1b2: {  	v20 =	vmov s8;
	v22 =	vmov s26;
	v53 =	vmov s15  }
0x1b3: {  	v54 =	vmul.u32 $0x680, v53;
	v12 =	vshll.u32 v8, $0x2;
	v8 =	vshll.u32 v9, $0x2  }
0x1b4: {  	v10 =	vshll.u32 v10, $0x2;
	v11 =	vshll.u32 v11, $0x2;
	v9 =	vadd.s32 v0, v12  }
0x1b5: {  	s16 =	simm.s32 $0x0;
	v13 =	vand.u32 $0x4, v12;
	v15 =	vadd.s32 v0, v10;
	v16 =	vadd.s32 v0, v11  }
0x1b6: {  	s0 =	smul.u32 $0x1A, s16;
	v17 =	vand.u32 $0x4, v8;
	v18 =	vand.u32 $0x4, v10;
	v21 =	vand.u32 $0x4, v11  }
0x1b7: {  	v23 =	vadd.s32 v2, v12;
	v24 =	vadd.s32 v2, v10;
	v27 =	vadd.s32 v4, v8  }
0x1b8: {  	s20 =	simm.s32 $0x0;
	s0 =	ssub.s32 $0xFFFFFFFC, s0;
	v29 =	vadd.s32 v4, v10;
	v36 =	vadd.s32 v4, v12;
	v9 =	vand.u32 $0xFFFFFFF8, v9  }
0x1b9: {  	s7 =	simm.s32 $0x0;
	s5 =	smul.u32 $0x1A, s20;
	s0 =	sshll.u32 s0, $0x6;
	v40 =	vadd.s32 v4, v11;
	v9 =	vor.u32 v13, v9;
	v13 =	vmul.u32 $0x680, v14  }
0x1ba: {  	s7 =	smul.u32 $0x1A, s7;
	s0 =	sadd.s32 $0x1C0, s0;
	v15 =	vand.u32 $0xFFFFFFF8, v15;
	v16 =	vand.u32 $0xFFFFFFF8, v16;
	v14 =	vadd.s32 v0, v8  }
0x1bb: {  	s30 =	smul.u32 $0x1A, s26;
	s5 =	ssub.s32 $0xFFFFFFFC, s5;
	v15 =	vor.u32 v18, v15;
	v18 =	vmul.u32 $0x680, v19;
	v13 =	vadd.s32 s0, v13  }
0x1bc: {  	s13 =	simm.s32 $0x47E0;
	s10 =	ssub.s32 $0xFFFFFFFC, s7;
	s5 =	sshll.u32 s5, $0x6;
	v19 =	vmul.u32 $0x680, v20;
	v16 =	vor.u32 v21, v16;
	v13 =	vbroadcast v13, $0x0  }
0x1bd: {  	v35 =	vld [tilespmem:s13+$0x10];
	s12 =	ssub.s32 $0x0, s30;
	s5 =	sadd.s32 $0x180, s5;
	v26 =	vadd.s32 v6, v8;
	v20 =	vmul.u32 $0x680, v22;
	v14 =	vand.u32 $0xFFFFFFF8, v14;
	s0 =	sshll.u32 s10, $0x6  }
0x1be: {  	s7 =	sshll.u32 s12, $0x6;
	v14 =	vor.u32 v17, v14;
	v19 =	vadd.s32 s5, v19;
	s0 =	sadd.s32 $0x140, s0;
	v9 =	vld.idx.msk [tilespmem:v9+s9+$0x0], $0xffff;
	v17 =	vor.u32 v1, v13  }
0x1bf: {  	v43 =	vld [tilespmem:s13+$0xFFFFFFF0];
	v20 =	vadd.s32 s7, v20;
	v19 =	vbroadcast v19, $0x0;
	v18 =	vadd.s32 s0, v18  }
0x1c0: {  	v25 =	vbroadcast v20, $0x0;
	v20 =	vadd.s32 v6, v10;
	v10 =	vld [tilespmem:s13+$0x0];
	v18 =	vbroadcast v18, $0x0  }
0x1c1: {  	v12 =	vadd.s32 v6, v12;
	v21 =	vadd.s32 v2, v8;
	v31 =	vor.u32 v1, v19;
	v16 =	vld.idx.msk [tilespmem:v16+s9+$0x0], $0xffff  }
0x1c2: {  	v15 =	vld.idx.msk [tilespmem:v15+s9+$0x0], $0xffff;
	v32 =	vor.u32 v3, v13;
	v33 =	vor.u32 v1, v25;
	v30 =	vor.u32 v1, v18  }
0x1c3: {  	v37 =	vor.u32 v3, v25;
	v38 =	vor.u32 v3, v19;
	v14 =	vld.idx.msk [tilespmem:v14+s9+$0x0], $0xffff;
	[tilespmem:v17+s28+$0x0] =	vst.idx.msk $0xffff, v9  }
0x1c4: {  	v22 =	vor.u32 v5, v19;
	v8 =	vor.u32 v7, v19;
	v19 =	vshll.u32 v35, $0x2;
	v28 =	vld.idx.msk [tilespmem:v23+s9+$0x0], $0xffff  }
0x1c5: {  	v41 =	vor.u32 v5, v25;
	v25 =	vor.u32 v7, v25;
	v51 =	vadd.s32 v0, v19  }
0x1c6: {  	s14 =	simm.s32 $0x0;
	v35 =	vshll.u32 v43, $0x2;
	v57 =	vadd.s32 v2, v19;
	v45 =	vadd.s32 v4, v19;
	[tilespmem:v31+s28+$0x0] =	vst.idx.msk $0xffff, v16  }
0x1c7: {  	v39 =	vld [tilespmem:s13+$0xFFFFFFE0];
	s0 =	smul.u32 $0x1A, s14;
	v34 =	vor.u32 v3, v18;
	v42 =	vor.u32 v5, v18;
	v10 =	vshll.u32 v10, $0x2;
	[tilespmem:v30+s28+$0x0] =	vst.idx.msk $0xffff, v15  }
0x1c8: {  	v52 =	vand.u32 $0x4, v19;
	v56 =	vand.u32 $0x4, v10;
	v17 =	vadd.s32 v2, v11;
	[tilespmem:v33+s28+$0x0] =	vst.idx.msk $0xffff, v14;
	v16 =	vld.idx.msk [tilespmem:v24+s9+$0x0], $0xffff  }
0x1c9: {  	s0 =	ssub.s32 $0x0, s0;
	v49 =	vadd.s32 v4, v10;
	v9 =	vor.u32 v7, v18;
	v21 =	vld.idx.msk [tilespmem:v21+s9+$0x0], $0xffff;
	[tilespmem:v32+s28+$0x0] =	vst.idx.msk $0xffff, v28  }
0x1ca: {  	s0 =	sshll.u32 s0, $0x6;
	v31 =	vadd.s32 v0, v10;
	v23 =	vadd.s32 v6, v11;
	v11 =	vor.u32 v5, v13;
	v18 =	vld.idx.msk [tilespmem:v36+s9+$0x0], $0xffff  }
0x1cb: {  	s0 =	sadd.s32 $0x1C0, s0;
	v13 =	vor.u32 v7, v13;
	v14 =	vand.u32 $0xFFFFFFF8, v51;
	v30 =	vadd.s32 v0, v35  }
0x1cc: {  	v14 =	vor.u32 v52, v14;
	v24 =	vand.u32 $0xFFFFFFF8, v30;
	v30 =	vadd.s32 s0, v54  }
0x1cd: {  	s10 =	simm.s32 $0x0;
	v30 =	vbroadcast v30, $0x0;
	v17 =	vld.idx.msk [tilespmem:v17+s9+$0x0], $0xffff;
	v28 =	vshll.u32 v39, $0x2;
	v32 =	vadd.s32 v2, v35;
	[tilespmem:v34+s28+$0x0] =	vst.idx.msk $0xffff, v16  }
0x1ce: {  	s26 =	simm.s32 $0x0;
	v55 =	vmov s10;
	v15 =	vadd.s32 v0, v28;
	v36 =	vadd.s32 v4, v35;
	[tilespmem:v37+s28+$0x0] =	vst.idx.msk $0xffff, v21;
	v29 =	vld.idx.msk [tilespmem:v29+s9+$0x0], $0xffff  }
0x1cf: {  	s23 =	simm.s32 $0x0;
	s30 =	smul.u32 $0x1A, s26;
	v15 =	vand.u32 $0xFFFFFFF8, v15;
	v16 =	vmov s26;
	v27 =	vld.idx.msk [tilespmem:v27+s9+$0x0], $0xffff;
	[tilespmem:v11+s28+$0x0] =	vst.idx.msk $0xffff, v18;
	v11 =	vand.u32 $0x4, v28  }
0x1d0: {  	s16 =	simm.s32 $0x0;
	s7 =	smul.u32 $0x1A, s23;
	v18 =	vand.u32 $0xFFFFFFF8, v31;
	v31 =	vand.u32 $0x4, v35;
	v12 =	vld.idx.msk [tilespmem:v12+s9+$0x0], $0xffff;
	v11 =	vor.u32 v11, v15  }
0x1d1: {  	s0 =	smul.u32 $0x1A, s16;
	v14 =	vld.idx.msk [tilespmem:v14+s9+$0x0], $0xffff;
	v34 =	vadd.s32 v4, v28;
	v15 =	vor.u32 v1, v30;
	v24 =	vor.u32 v31, v24  }
0x1d2: {  	s20 =	simm.s32 $0x0;
	s5 =	ssub.s32 $0x4, s30;
	s7 =	ssub.s32 $0x0, s7;
	v16 =	vmul.u32 $0x680, v16;
	[tilespmem:v38+s28+$0x0] =	vst.idx.msk $0xffff, v17;
	v17 =	vor.u32 v56, v18;
	v18 =	vmul.u32 $0x680, v55  }
0x1d3: {  	s10 =	simm.s32 $0x4820;
	s7 =	sshll.u32 s7, $0x6;
	s0 =	ssub.s32 $0x0, s0;
	v21 =	vmov s20;
	v31 =	vadd.s32 v2, v28;
	v56 =	vor.u32 v5, v30;
	[tilespmem:v42+s28+$0x0] =	vst.idx.msk $0xffff, v29;
	v29 =	vld.idx.msk [tilespmem:v40+s9+$0x0], $0xffff  }
0x1d4: {  	s5 =	sshll.u32 s5, $0x6;
	v46 =	vld [tilespmem:s10+$0x10];
	s7 =	sadd.s32 $0x180, s7;
	s0 =	sshll.u32 s0, $0x6;
	v21 =	vmul.u32 $0x680, v21;
	v55 =	vor.u32 v7, v30;
	[tilespmem:v41+s28+$0x0] =	vst.idx.msk $0xffff, v27;
	v27 =	vadd.s32 v2, v10  }
0x1d5: {  	s0 =	sadd.s32 $0x140, s0;
	v10 =	vadd.s32 v6, v10;
	[tilespmem:v13+s28+$0x0] =	vst.idx.msk $0xffff, v12;
	v13 =	vadd.s32 s5, v16;
	v16 =	vadd.s32 s7, v18;
	v18 =	vld.idx.msk [tilespmem:v11+s9+$0x0], $0xffff  }
0x1d6: {  	v12 =	vadd.s32 s0, v21;
	[tilespmem:v15+s28+$0x0] =	vst.idx.msk $0xffff, v14;
	v59 =	vld.idx.msk [tilespmem:v24+s9+$0x0], $0xffff;
	v24 =	vor.u32 v3, v30;
	v21 =	vbroadcast v13, $0x0  }
0x1d7: {  	v11 =	vadd.s32 v6, v35;
	v12 =	vbroadcast v12, $0x0;
	v15 =	vbroadcast v16, $0x0;
	v58 =	vld.idx.msk [tilespmem:v57+s9+$0x0], $0xffff  }
0x1d8: {  	v50 =	vld [tilespmem:s10+$0xFFFFFFE0];
	v13 =	vadd.s32 v6, v28;
	[tilespmem:v22+s28+$0x0] =	vst.idx.msk $0xffff, v29;
	v62 =	vor.u32 v1, v21  }
0x1d9: {  	v52 =	vld [tilespmem:s10+$0xFFFFFFF0];
	v60 =	vor.u32 v1, v12;
	v61 =	vor.u32 v1, v15;
	v44 =	vor.u32 v3, v12  }
0x1da: {  	v28 =	vld [tilespmem:s10+$0x0];
	v47 =	vor.u32 v3, v21;
	v48 =	vor.u32 v3, v15;
	v51 =	vor.u32 v5, v21  }
0x1db: {  	v63 =	vld.idx.msk [tilespmem:v17+s9+$0x0], $0xffff;
	v16 =	vor.u32 v5, v12;
	v14 =	vor.u32 v5, v15;
	v17 =	vor.u32 v7, v12  }
0x1dc: {  	s12 =	simm.s32 $0x0;
	s14 =	simm.s32 $0x0;
	v12 =	vor.u32 v7, v21;
	v15 =	vor.u32 v7, v15;
	[tilespmem:v24+s28+$0x0] =	vst.idx.msk $0xffff, v58;
	v24 =	vshll.u32 v46, $0x2  }
0x1dd: {  	s0 =	smul.u32 $0x1A, s12;
	v30 =	vmov s14;
	v29 =	vld.idx.msk [tilespmem:v26+s9+$0x0], $0xffff;
	v58 =	vadd.s32 v6, v19;
	v21 =	vadd.s32 v0, v24;
	[tilespmem:v62+s28+$0x0] =	vst.idx.msk $0xffff, v18  }
0x1de: {  	s13 =	simm.s32 $0x0;
	v19 =	vshll.u32 v52, $0x2;
	v57 =	vld.idx.msk [tilespmem:v45+s9+$0x0], $0xffff;
	v18 =	vshll.u32 v50, $0x2;
	[tilespmem:v60+s28+$0x0] =	vst.idx.msk $0xffff, v59;
	v59 =	vand.u32 $0xFFFFFFF8, v21  }
0x1df: {  	v22 =	vld.idx.msk [tilespmem:v20+s9+$0x0], $0xffff;
	s0 =	ssub.s32 $0x4, s0;
	v60 =	vand.u32 $0x4, v24;
	v21 =	vshll.u32 v28, $0x2;
	v28 =	vmov s13  }
0x1e0: {  	s0 =	sshll.u32 s0, $0x6;
	v62 =	vadd.s32 v0, v19;
	v31 =	vld.idx.msk [tilespmem:v31+s9+$0x0], $0xffff;
	v37 =	vor.u32 v60, v59;
	v28 =	vmul.u32 $0x680, v28  }
0x1e1: {  	s0 =	sadd.s32 $0x1C0, s0;
	v54 =	vand.u32 $0x4, v19;
	[tilespmem:v61+s28+$0x0] =	vst.idx.msk $0xffff, v63;
	v32 =	vld.idx.msk [tilespmem:v32+s9+$0x0], $0xffff;
	v61 =	vadd.s32 v0, v18;
	v63 =	vand.u32 $0xFFFFFFF8, v62  }
0x1e2: {  	s23 =	simm.s32 $0x0;
	v27 =	vld.idx.msk [tilespmem:v27+s9+$0x0], $0xffff;
	v50 =	vadd.s32 v0, v21;
	v52 =	vand.u32 $0x4, v18;
	v20 =	vadd.s32 s0, v28  }
0x1e3: {  	s20 =	simm.s32 $0x0;
	s26 =	smul.u32 $0x1A, s23;
	v62 =	vmul.u32 $0x680, v30;
	v35 =	vadd.s32 v2, v18;
	[tilespmem:v56+s28+$0x0] =	vst.idx.msk $0xffff, v57;
	v20 =	vbroadcast v20, $0x0  }
0x1e4: {  	s15 =	simm.s32 $0x0;
	s8 =	smul.u32 $0x1A, s20;
	[tilespmem:v25+s28+$0x0] =	vst.idx.msk $0xffff, v29;
	v30 =	vadd.s32 v2, v19;
	v26 =	vand.u32 $0xFFFFFFF8, v61;
	v53 =	vand.u32 $0xFFFFFFF8, v50;
	v28 =	vld.idx.msk [tilespmem:v58+s9+$0x0], $0xffff  }
0x1e5: {  	s7 =	smul.u32 $0x1A, s15;
	v38 =	vor.u32 v54, v63;
	[tilespmem:v47+s28+$0x0] =	vst.idx.msk $0xffff, v31;
	v58 =	vld.idx.msk [tilespmem:v37+s9+$0x0], $0xffff;
	v60 =	vor.u32 v1, v20  }
0x1e6: {  	s16 =	simm.s32 $0x0;
	v59 =	vmov s23;
	v61 =	vadd.s32 v2, v24;
	v33 =	vor.u32 v52, v26;
	[tilespmem:v44+s28+$0x0] =	vst.idx.msk $0xffff, v32;
	v34 =	vld.idx.msk [tilespmem:v34+s9+$0x0], $0xffff  }
0x1e7: {  	s30 =	ssub.s32 $0x4, s8;
	s7 =	ssub.s32 $0x4, s7;
	v23 =	vld.idx.msk [tilespmem:v23+s9+$0x0], $0xffff;
	s0 =	ssub.s32 $0x8, s26;
	v56 =	vmov s16;
	v57 =	vand.u32 $0x4, v21;
	[tilespmem:v48+s28+$0x0] =	vst.idx.msk $0xffff, v27;
	v27 =	vmul.u32 $0x680, v59  }
0x1e8: {  	s5 =	sshll.u32 s30, $0x6;
	s7 =	sshll.u32 s7, $0x6;
	s0 =	sshll.u32 s0, $0x6;
	v42 =	vor.u32 v57, v53;
	v63 =	vmul.u32 $0x680, v56;
	v43 =	vor.u32 v3, v20;
	v31 =	vld.idx.msk [tilespmem:v36+s9+$0x0], $0xffff  }
0x1e9: {  	s5 =	sadd.s32 $0x140, s5;
	s7 =	sadd.s32 $0x180, s7;
	v44 =	vadd.s32 v4, v24;
	v26 =	vld.idx.msk [tilespmem:v49+s9+$0x0], $0xffff;
	v25 =	vadd.s32 s0, v27;
	[tilespmem:v55+s28+$0x0] =	vst.idx.msk $0xffff, v28  }
0x1ea: {  	v39 =	vld.idx.msk [tilespmem:v38+s9+$0x0], $0xffff;
	v27 =	vadd.s32 s5, v62;
	v36 =	vbroadcast v25, $0x0;
	v28 =	vadd.s32 s7, v63;
	[tilespmem:v60+s28+$0x0] =	vst.idx.msk $0xffff, v58  }
0x1eb: {  	s29 =	simm.s32 $0x4860;
	v37 =	vld.idx.msk [tilespmem:v33+s9+$0x0], $0xffff;
	v33 =	vadd.s32 v2, v21;
	v32 =	vbroadcast v28, $0x0;
	[tilespmem:v51+s28+$0x0] =	vst.idx.msk $0xffff, v34;
	v34 =	vbroadcast v27, $0x0  }
0x1ec: {  	s8 =	simm.s32 $0x8;
	s14 =	simm.s32 $0x627A;
	s10 =	simm.s32 $0x58A1;
	v25 =	vadd.s32 v4, v19;
	v45 =	vor.u32 v1, v36;
	v27 =	vadd.s32 v4, v18;
	v40 =	vld.idx.msk [tilespmem:v61+s9+$0x0], $0xffff  }
0x1ed: {  	s0 =	simm.s32 $0x8;
	s5 =	simm.s32 $0x6C53;
	s7 =	simm.s32 $0x4EC8;
	v42 =	vld.idx.msk [tilespmem:v42+s9+$0x0], $0xffff;
	v38 =	vor.u32 v1, v32;
	v41 =	vor.u32 v1, v34;
	v28 =	vor.u32 v3, v34  }
.LBB2_21:
0x1ee: {  	v46 =	vld [tilespmem:s29+$0x10];
	v47 =	vor.u32 v3, v36;
	v48 =	vor.u32 v3, v32;
	v49 =	vadd.s32 v4, v21;
	s12 =	smov.u32 s0;
	s0 =	sadd.s32 $0x4, s0  }
0x1ef: {  	v29 =	vor.u32 v5, v36;
	v51 =	vor.u32 v5, v34;
	v52 =	vor.u32 v5, v32;
	v50 =	vld [tilespmem:s29+$0xFFFFFFE0];
	p0 =	slt.u32 s0, $0x64  }
0x1f0: {  	v54 =	vadd.s32 v6, v18;
	v55 =	vadd.s32 v6, v19;
	v53 =	vld [tilespmem:s29+$0xFFFFFFF0];
	[tilespmem:v16+s28+$0x0] =	vst.idx.msk $0xffff, v31;
	v16 =	vmov v51  }
0x1f1: {  	v34 =	vor.u32 v7, v34;
	v51 =	vadd.s32 v6, v21;
	v31 =	vld [tilespmem:s29+$0x0];
	[tilespmem:v43+s28+$0x0] =	vst.idx.msk $0xffff, v40  }
0x1f2: {  	v36 =	vor.u32 v7, v36;
	v32 =	vor.u32 v7, v32;
	s5 =	sadd.s32 $0x2764, s5;
	[tilespmem:v45+s28+$0x0] =	vst.idx.msk $0xffff, v37;
	v37 =	vld.idx.msk [tilespmem:v44+s9+$0x0], $0xffff  }
0x1f3: {  	s7 =	sadd.s32 $0x2764, s7;
	s13 =	sshrl.u32 s5, $0x10;
	v40 =	vshll.u32 v46, $0x2;
	v35 =	vld.idx.msk [tilespmem:v35+s9+$0x0], $0xffff;
	[tilespmem:v41+s28+$0x0] =	vst.idx.msk $0xffff, v39;
	v39 =	vor.u32 v5, v20  }
0x1f4: {  	v24 =	vadd.s32 v6, v24;
	s16 =	sadd.s32 $0x1D8B, s7;
	s15 =	smul.u32 $0x1A, s13;
	s13 =	sshrl.u32 s7, $0x10;
	v18 =	vshll.u32 v50, $0x2;
	v21 =	vadd.s32 v0, v40;
	[tilespmem:v38+s28+$0x0] =	vst.idx.msk $0xffff, v42  }
0x1f5: {  	s20 =	sadd.s32 $0x9D9, s7;
	s23 =	sadd.s32 $0x13B2, s7;
	s16 =	sshrl.u32 s16, $0x10;
	v41 =	vand.u32 $0x4, v40;
	v19 =	vshll.u32 v53, $0x2;
	v38 =	vand.u32 $0xFFFFFFF8, v21;
	v30 =	vld.idx.msk [tilespmem:v30+s9+$0x0], $0xffff;
	[tilespmem:v14+s28+$0x0] =	vst.idx.msk $0xffff, v26;
	v14 =	vmovc v52  }
0x1f6: {  	s20 =	sshrl.u32 s20, $0x10;
	s26 =	smul.u32 $0x1A, s13;
	s15 =	ssub.s32 s12, s15;
	v26 =	vmov s16;
	v21 =	vshll.u32 v31, $0x2;
	v31 =	vor.u32 v41, v38;
	v33 =	vld.idx.msk [tilespmem:v33+s9+$0x0], $0xffff;
	[tilespmem:v9+s28+$0x0] =	vst.idx.msk $0xffff, v22;
	v9 =	vmovc v17  }
0x1f7: {  	s8 =	sadd.s32 $0x4, s8;
	s15 =	sshll.u32 s15, $0x6;
	s16 =	sshrl.u32 s23, $0x10;
	v17 =	vadd.s32 v0, v18;
	v22 =	vadd.s32 v0, v19;
	v26 =	vmul.u32 $0x680, v26;
	v38 =	vld.idx.msk [tilespmem:v13+s9+$0x0], $0xffff;
	v13 =	vmovc v54  }
0x1f8: {  	s14 =	sadd.s32 $0x2764, s14;
	s15 =	sadd.s32 $0x1C0, s15;
	s23 =	ssub.s32 s8, s26;
	v41 =	vand.u32 $0xFFFFFFF8, v17;
	v42 =	vand.u32 $0xFFFFFFF8, v22;
	v17 =	vadd.s32 v0, v21;
	[tilespmem:v39+s28+$0x0] =	vst.idx.msk $0xffff, v37;
	v22 =	vld.idx.msk [tilespmem:v11+s9+$0x0], $0xffff  }
0x1f9: {  	s10 =	sadd.s32 $0x2764, s10;
	s26 =	sshrl.u32 s14, $0x10;
	s23 =	sshll.u32 s23, $0x6;
	v37 =	vand.u32 $0x4, v18;
	v39 =	vand.u32 $0xFFFFFFF8, v17;
	v46 =	vadd.s32 s15, v26;
	v11 =	vmovc v55;
	[tilespmem:v47+s28+$0x0] =	vst.idx.msk $0xffff, v35;
	v24 =	vld.idx.msk [tilespmem:v24+s9+$0x0], $0xffff  }
0x1fa: {  	v43 =	vor.u32 v7, v20;
	s15 =	smul.u32 $0x1A, s26;
	s26 =	sshrl.u32 s10, $0x10;
	v26 =	vand.u32 $0x4, v19;
	v20 =	vbroadcast v46, $0x0;
	v27 =	vld.idx.msk [tilespmem:v27+s9+$0x0], $0xffff;
	[tilespmem:v8+s28+$0x0] =	vst.idx.msk $0xffff, v23  }
0x1fb: {  	v44 =	vand.u32 $0x4, v21;
	s26 =	smul.u32 $0x1A, s26;
	v35 =	vmov s16;
	v23 =	vmov s20;
	v17 =	vmovc v34;
	v8 =	vmovc v15;
	v45 =	vld.idx.msk [tilespmem:v31+s9+$0x0], $0xffff;
	[tilespmem:v28+s28+$0x0] =	vst.idx.msk $0xffff, v30  }
0x1fc: {  	v15 =	vmov s13;
	v28 =	vor.u32 v37, v41;
	v41 =	vor.u32 v1, v20;
	v31 =	vld.idx.msk [tilespmem:v25+s9+$0x0], $0xffff;
	[tilespmem:v48+s28+$0x0] =	vst.idx.msk $0xffff, v33  }
0x1fd: {  	v42 =	vor.u32 v26, v42;
	v44 =	vor.u32 v44, v39;
	v39 =	vadd.s32 v2, v40;
	s13 =	ssub.s32 s12, s26;
	s12 =	ssub.s32 s12, s15;
	v26 =	vld.idx.msk [tilespmem:v49+s9+$0x0], $0xffff  }
0x1fe: {  	v34 =	vmul.u32 $0x680, v15;
	s13 =	sshll.u32 s13, $0x6;
	v25 =	vmul.u32 $0x680, v23;
	s12 =	sshll.u32 s12, $0x6;
	v33 =	vmul.u32 $0x680, v35;
	[tilespmem:v12+s28+$0x0] =	vst.idx.msk $0xffff, v38;
	v23 =	vld.idx.msk [tilespmem:v10+s9+$0x0], $0xffff;
	v10 =	vmovc v51  }
0x1ff: {  	v30 =	vadd.s32 v2, v19;
	v35 =	vadd.s32 v2, v18;
	s13 =	sadd.s32 $0x140, s13;
	s12 =	sadd.s32 $0x180, s12;
	v12 =	vmov v36;
	[tilespmem:v43+s28+$0x0] =	vst.idx.msk $0xffff, v24  }
.Ltmp12:
0x200: {  	v15 =	vmovc v32;
	v36 =	vadd.s32 s23, v34;
	v25 =	vadd.s32 s13, v25;
	v33 =	vadd.s32 s12, v33;
	v24 =	vmovc v40;
	[tilespmem:v29+s28+$0x0] =	vst.idx.msk $0xffff, v27;
	(pc) =	sbr.rel @p0 .LBB2_21-.Ltmp12, $4  }
0x201: {  	v34 =	vbroadcast v25, $0x0;
	v32 =	vbroadcast v33, $0x0;
	v33 =	vadd.s32 v2, v21;
	v37 =	vld.idx.msk [tilespmem:v28+s9+$0x0], $0xffff;
	[tilespmem:v41+s28+$0x0] =	vst.idx.msk $0xffff, v45  }
0x202: {  	v36 =	vbroadcast v36, $0x0;
	v25 =	vadd.s32 v4, v19;
	v27 =	vadd.s32 v4, v18;
	v40 =	vld.idx.msk [tilespmem:v39+s9+$0x0], $0xffff  }
0x203: {  	v43 =	vor.u32 v3, v20;
	v41 =	vor.u32 v1, v34;
	v38 =	vor.u32 v1, v32;
	v39 =	vld.idx.msk [tilespmem:v42+s9+$0x0], $0xffff  }
0x204: {  	s29 =	sadd.s32 $0x40, s29;
	v45 =	vor.u32 v1, v36;
	v28 =	vor.u32 v3, v34;
	v42 =	vld.idx.msk [tilespmem:v44+s9+$0x0], $0xffff;
	v44 =	vadd.s32 v4, v24  }
0x205: {  	_ =	sdelay $0x3  }
0x206: {  	[tilespmem:v16+s28+$0x0] =	vst.idx.msk $0xffff, v31  }
0x207: {  	[tilespmem:v45+s28+$0x0] =	vst.idx.msk $0xffff, v37  }
0x208: {  	v63 =	vor.u32 v3, v36;
	v29 =	vld.idx.msk [tilespmem:v35+s9+$0x0], $0xffff;
	[tilespmem:v41+s28+$0x0] =	vst.idx.msk $0xffff, v39  }
0x209: {  	[tilespmem:v38+s28+$0x0] =	vst.idx.msk $0xffff, v42;
	v30 =	vld.idx.msk [tilespmem:v30+s9+$0x0], $0xffff  }
0x20a: {  	[tilespmem:v14+s28+$0x0] =	vst.idx.msk $0xffff, v26;
	v42 =	vor.u32 v3, v32;
	v33 =	vld.idx.msk [tilespmem:v33+s9+$0x0], $0xffff  }
0x20b: {  	[tilespmem:v9+s28+$0x0] =	vst.idx.msk $0xffff, v22;
	v45 =	vadd.s32 v4, v21  }
0x20c: {  	v49 =	vld.idx.msk [tilespmem:v13+s9+$0x0], $0xffff;
	[tilespmem:v43+s28+$0x0] =	vst.idx.msk $0xffff, v40  }
0x20d: {  	v47 =	vor.u32 v5, v20;
	v46 =	vld.idx.msk [tilespmem:v44+s9+$0x0], $0xffff;
	[tilespmem:v63+s28+$0x0] =	vst.idx.msk $0xffff, v29  }
0x20e: {  	v48 =	vadd.s32 v6, v24;
	v50 =	vor.u32 v5, v36;
	v16 =	vld.idx.msk [tilespmem:v27+s9+$0x0], $0xffff;
	[tilespmem:v28+s28+$0x0] =	vst.idx.msk $0xffff, v30  }
0x20f: {  	v51 =	vor.u32 v5, v34;
	v18 =	vadd.s32 v6, v18;
	v52 =	vld.idx.msk [tilespmem:v25+s9+$0x0], $0xffff;
	[tilespmem:v42+s28+$0x0] =	vst.idx.msk $0xffff, v33  }
0x210: {  	v53 =	vor.u32 v5, v32;
	v19 =	vadd.s32 v6, v19;
	[tilespmem:v8+s28+$0x0] =	vst.idx.msk $0xffff, v23;
	v54 =	vld.idx.msk [tilespmem:v45+s9+$0x0], $0xffff  }
0x211: {  	v55 =	vadd.s32 v6, v21;
	v8 =	vld.idx.msk [tilespmem:v11+s9+$0x0], $0xffff;
	[tilespmem:v12+s28+$0x0] =	vst.idx.msk $0xffff, v49  }
0x212: {  	v57 =	vld.idx.msk [tilespmem:v10+s9+$0x0], $0xffff;
	[tilespmem:v47+s28+$0x0] =	vst.idx.msk $0xffff, v46  }
0x213: {  	v56 =	vor.u32 v7, v20;
	v14 =	vld.idx.msk [tilespmem:v48+s9+$0x0], $0xffff;
	[tilespmem:v50+s28+$0x0] =	vst.idx.msk $0xffff, v16  }
0x214: {  	v58 =	vor.u32 v7, v36;
	v59 =	vld.idx.msk [tilespmem:v18+s9+$0x0], $0xffff;
	[tilespmem:v51+s28+$0x0] =	vst.idx.msk $0xffff, v52  }
0x215: {  	v60 =	vor.u32 v7, v34;
	[tilespmem:v53+s28+$0x0] =	vst.idx.msk $0xffff, v54;
	v61 =	vld.idx.msk [tilespmem:v19+s9+$0x0], $0xffff  }
0x216: {  	v62 =	vor.u32 v7, v32;
	s31 =	sadd.s32 $0x1, s31;
	[tilespmem:v17+s28+$0x0] =	vst.idx.msk $0xffff, v8;
	v63 =	vld.idx.msk [tilespmem:v55+s9+$0x0], $0xffff  }
0x217: {  	s0 =	sshll.u32 s1, $0x2;
	p0 =	sne.s32 s31, $0x20;
	[tilespmem:v15+s28+$0x0] =	vst.idx.msk $0xffff, v57  }
.Ltmp13:
0x218: {  	s0 =	sadd.s32 s6, s0;
	[tilespmem:v56+s28+$0x0] =	vst.idx.msk $0xffff, v14;
	(pc) =	sbr.rel @p0 .LBB2_2-.Ltmp13, $4  }
0x219: {  	s0 =	smul.u32 $0xD0, s0;
	[tilespmem:v58+s28+$0x0] =	vst.idx.msk $0xffff, v59  }
0x21a: {  	[tilespmem:v60+s28+$0x0] =	vst.idx.msk $0xffff, v61  }
0x21b: {  	s0 =	sadd.s32 s2, s0;
	[tilespmem:v62+s28+$0x0] =	vst.idx.msk $0xffff, v63  }
0x21c: {  	[hbm4b:s0+s3] =	stream.linear.scatter [tilespmem:s28], [sflag:$0x8], $0x1A00, $0x38;
	[tilespmem:$0xF600] =	vst v63  }
0x21d: {  	s0 =	simm.s32 $0x5  }
0x21e: {  	_ =	swait.ge [sflag:s0], $0x1A00  }
0x21f: {  	[sflag:s0] =	ssyncset.done $0x0  }
0x220: {  	s29 =	simm.s32 $0x6;
	[sflag:s0] =	ssyncadd.s32 $0xFFFFE600  }
0x221: {  	_ =	swait.ge [sflag:s29], $0x1A00  }
0x222: {  	[sflag:s29] =	ssyncset.done $0x0  }
0x223: {  	s30 =	simm.s32 $0x7;
	[sflag:s29] =	ssyncadd.s32 $0xFFFFE600  }
0x224: {  	_ =	swait.ge [sflag:s30], $0x1A00  }
0x225: {  	[sflag:s30] =	ssyncset.done $0x0  }
0x226: {  	s1 =	simm.s32 $0x8;
	[sflag:s30] =	ssyncadd.s32 $0xFFFFE600  }
0x227: {  	_ =	swait.ge [sflag:s1], $0x1A00  }
0x228: {  	s5 =	rddreg [dreg:$0x6]  }
0x229: {  	s31 =	rddreg [dreg:$0x5];
	s5 =	sadd.s32 $0x1, s5  }
0x22a: {  	p0 =	sne.s32 s5, s31  }
.Ltmp14:
0x22b: {  	_ = 	snop;
	(pc) =	sbr.rel @p0 .LBB2_1-.Ltmp14, $3  }
0x22c: {  	_ =	sdelay $0x1  }
0x22d: {  	[sflag:s1] =	ssyncset.done $0x0  }
0x22e: {  	[sflag:s1] =	ssyncadd.s32 $0xFFFFE600  }
0x22f: {  	_ =	sfence.sel $0x180000  }
0x230: {  	[bflag:$0x0] =	sbarrier.arrive $0xFFFF  }
0x231: {  	_ =	strace $0x90000047  }
0x232: {  	s0 =	stileid.u32;
	[bflag:$0x2] =	sbarrier.arrive $0xFFFF  }
0x233: {  	p0 =	sne.s32 s0, $0x0;
	s0 =	rddreg [dreg:$0x2]  }
0x234: {  	s0 =	sadd.s32 @!p0 $0x100000, s0  }
0x235: {  	[sflag:s0] =	ssyncadd.tile.s32 @!p0 $0x1;
	_ =	shalt  }
.Lfunc_end2:
_tile_overlayer_lowered:
.L_overlay_start_2:
0x236: {  	(tag) =	ssettag $0x2  }
0x237: {  	s0 =	rddreg [dreg:$0x0];
	s2 =	stileid.u32  }
0x238: {  	s1 =	rddreg [dreg:$0x1];
	p0 =	sne.s32 s2, $0x0  }
0x239: {  	s3 =	rddreg [dreg:$0x2];
	[bflag:$0x3] =	sbarrier.arrive $0xFFFF;
	s2 =	simm.s32 @!p0 $0x1C09  }
0x23a: {  	[timem:s3], [sflag:s2] =	dma.local @!p0 [hbm:s0], s1  }
0x23b: {  	s0 =	simm.s32 @!p0 $0x9  }
0x23c: {  	_ =	swait.ge @!p0 [sflag:s0], s1  }
0x23d: {  	s1 =	ssub.s32 @!p0 $0x0, s1;
	[sflag:s0] =	ssyncset.done @!p0 $0x0  }
0x23e: {  	[sflag:s0] =	ssyncadd.s32 @!p0 s1  }
0x23f: {  	[bflag:$0x3] =	sbarrier.arrive $0xFFFF  }
0x240: {  	_ =	shalt  }

// kernel: sparse-core-data-format-call.cloned.1.call-start
scs
called_computation_lowered:
.L_overlay_start_0:
0x0: {  	s2 =	sld [smem:$0x3FD9]  }
0x1: {  	s3 =	sld [smem:$0x3FFE];
	_ =	sdelay $0x1  }
0x2: {  	s1 =	srdreg.scid  }
0x3: {  	s0 =	sand.u32 $0x1, s1  }
0x4: {  	s18 =	sshll.u32 s0, $0xA;
	s2 =	sadd.s32 s3, s2  }
0x5: {  	s2 =	sadd.s32 s2, s18  }
0x6: {  	[smem:$0x3FC5] =	sst s2  }
0x7: {  	_ = 	snop  }
0x8: {  	s2 =	sld [smem:$0x3FD0];
	(tm) =	ssettm $0x1  }
0x9: {  	s19 =	sld [smem:$0x3FFB];
	_ =	sdelay $0x3  }
0xa: {  	_ =	strace s19  }
0xb: {  	s3 =	sld [smem:$0x3FFC];
	_ =	sdelay $0x3  }
0xc: {  	_ =	strace s3  }
0xd: {  	s3 =	sld [smem:$0x3FFD];
	_ =	sdelay $0x3  }
0xe: {  	_ =	strace s3  }
0xf: {  	_ =	strace $0x8FFFFFFF  }
0x10: {  	s20 =	sld [smem:$0x3FDB];
	_ =	sdelay $0x1  }
0x11: {  	s4 =	simm.s32 $_scs_section_size  }
0x12: {  	s5 =	simm.s32 $_size__tile_overlayer_lowered;
	s6 =	simm.s32 $_tile_overlayer_lowered  }
0x13: {  	s23 =	simm.s32 $0x1BFF;
	s22 =	sshll.u32 s6, $0x1;
	s3 =	sadd.s32 s4, s20  }
0x14: {  	s7 =	simm.s32 $0x0;
	s21 =	sshll.u32 s5, $0x1;
	s5 =	sadd.s32 s22, s3  }
0x15: {  	[timem:s7], [sflag:s23] =	dma.local [hbm:s5], s21  }
0x16: {  	_ =	swait.ge [sflag:s23], s21  }
0x17: {  	s4 =	ssub.s32 $0x0, s21;
	[sflag:s23] =	ssyncset.done $0x0  }
0x18: {  	[sflag:s23] =	ssyncadd.s32 s4;
	_ =	sdelay $0x1  }
0x19: {  	s24 =	simm.s32 $0x1B8B  }
0x1a: {  	_ =	swait.ge [sflag:s24], $0x1  }
0x1b: {  	[sflag:s24] =	ssyncset.done $0x0  }
0x1c: {  	s26 =	simm.s32 $0x1B8E;
	s25 =	sld [smem:$0x3FFE];
	[sflag:s24] =	ssyncadd.s32 $0xFFFFFFFF  }
0x1d: {  	s27 =	simm.s32 $execute0_lowered;
	[smem:$0x3FD2] =	sst s26  }
0x1e: {  	s5 =	sshll.u32 s27, $0x1;
	_ =	strace $0x80000049;
	[dreg:$0x1] =	wrdreg $0xFFFFFFFF  }
0x1f: {  	s28 =	simm.s32 $_size_execute0_lowered;
	s3 =	sadd.s32 s3, s5;
	[dreg:$0x0] =	wrdreg $0x0  }
0x20: {  	s5 =	sshll.u32 s28, $0x1;
	[dreg:$0x2] =	wrdreg s3  }
0x21: {  	[dreg:$0x3] =	wrdreg s5  }
0x22: {  	[dreg:$0x4] =	wrdreg $0xC0  }
0x23: {  	_ =	task [dreg:s7], $0x5FFFF  }
0x24: {  	[dreg:$0x1] =	wrdreg $0xFFFFFFFF  }
0x25: {  	[dreg:$0x0] =	wrdreg $0x60  }
0x26: {  	[dreg:$0x2] =	wrdreg s25  }
0x27: {  	[dreg:$0x3] =	wrdreg s2  }
0x28: {  	[dreg:$0x4] =	wrdreg $0x9  }
0x29: {  	_ =	task.clear_ibuf [dreg:s7], $0x5FFFF;
	_ =	strace $0x90000049  }
0x2a: {  	s29 =	simm.s32 $0x9;
	_ =	strace $0x8000004B  }
0x2b: {  	_ =	swait.ge [sflag:s29], $0x1  }
0x2c: {  	[sflag:s29] =	ssyncadd.s32 $0xFFFFFFFF  }
0x2d: {  	_ =	strace $0x9000004B  }
0x2e: {  	_ =	sfence  }
0x2f: {  	s30 =	sld [smem:$0x0];
	_ =	sdelay $0x2  }
0x30: {  	s31 =	sshll.u32 s1, $0xD;
	s1 =	sshrl.u32 s1, $0x2  }
0x31: {  	s3 =	sand.u32 $0x4000, s31;
	s1 =	sadd.s32 s1, s30  }
0x32: {  	s0 =	sor.u32 s3, s0;
	s1 =	sshll.u32 s1, $0x11  }
0x33: {  	s0 =	sor.u32 s1, s0  }
0x34: {  	s0 =	sadd.s32 $0x8F2B, s0  }
0x35: {  	[sflag:s0] =	ssyncadd.remote.s32 $0x1  }
0x36: {  	_ =	sfence.sel $0xFFFF  }
0x37: {  	[dreg:$0x0] =	wrdreg $0xFFFFFFFF;
	(pc) =	sbr.abs _section_cstart, $3  }
0x38: {  	[dreg:$0x1] =	wrdreg $0xFFFFFFFF  }
0x39: {  	_ =	task.clear_ibuf [dreg:s7], $0x2FFFF;
	_ =	strace $0x9FFFFFFF  }
0x3a: {  	(tm) =	ssettm $0x7FFFFFFF  }
0x3b: {  	_ =	shalt  }
tec
execute0_lowered:
.L_overlay_start_1:
0x0: {  	(tag) =	ssettag $0x1  }
0x1: {  	s0 =	srdreg.scid  }
0x2: {  	s1 =	sshll.u32 s0, $0x4  }
0x3: {  	s0 =	stileid.u32;
	s1 =	sand.u32 $0x10, s1  }
0x4: {  	s1 =	sor.u32 s0, s1  }
0x5: {  	s6 =	rddreg [dreg:$0x0];
	s4 =	simm.s32 $0x1;
	s2 =	sshll.u32 s1, $0x7  }
0x6: {  	s7 =	simm.s32 $0x2;
	s12 =	simm.s32 $0x0;
	s1 =	ssub.s32 $0x4000, s2  }
0x7: {  	s8 =	simm.s32 $0x20000;
	s13 =	simm.s32 $0x0;
	s3 =	sand.u32 $0xF80, s1  }
0x8: {  	s9 =	simm.s32 $0x0;
	s5 =	sshrl.u32 s1, $0xC;
	p0 =	sne.s32 s3, $0x0  }
.Ltmp0:
0x9: {  	s1 =	rddreg [dreg:$0x2];
	s4 =	simm.s32 @!p0 $0x0;
	(pc) =	sbr.rel .LBB1_1-.Ltmp0, $4  }
0xa: {  	s11 =	simm.s32 $0x0;
	s3 =	rddreg [dreg:$0x1];
	s5 =	sadd.s32 s4, s5  }
0xb: {  	_ =	strace $0x8000004A;
	s4 =	simm.s32 $0x1;
	s5 =	smul.u32 $0x1A, s5  }
0xc: {  	s6 =	sadd.s32 $0xC00, s6;
	s10 =	smov.u32 s2;
	[sflag:s4] =	ssyncpa.u1 $0x0  }
0xd: {  	p0 =	por $0x0, $0x0;
	[sflag:s7] =	ssyncpa.u1 $0x0;
	s7 =	sor.u32 $0x1, s5  }
.LBB1_4:
0xe: {  	s16 =	sshll.u32 s13, $0x3;
	s17 =	sand.u32 $0x78, s13  }
0xf: {  	s30 =	sand.u32 $0x1F800, s13;
	s12 =	sshll.u32 s12, $0x11;
	s16 =	sand.u32 $0x3C00, s16  }
0x10: {  	[tilespmem:s15+$0x810 ss:$0x81] =	vst.msk $0xffff, v2;
	s31 =	sand.u32 $0x7, s13;
	s16 =	sor.u32 s17, s16;
	s17 =	sadd.s32 s3, s30  }
0x11: {  	[tilespmem:s15+$0x1020 ss:$0x81] =	vst.msk $0xffff, v0;
	s13 =	sshll.u32 s31, $0x12;
	s12 =	sadd.s32 s12, s17;
	s16 =	sshrl.u32 s16, $0x3  }
0x12: {  	[tilespmem:s15+$0x0 ss:$0x81] =	vst.msk $0xffff, v1;
	s13 =	sor.u32 $0x400, s13;
	s12 =	sadd.s32 s16, s12  }
0x13: {  	[hbm4b:s12+s13] =	stream.strided.scatter [tilespmem:s14], [sflag:$0x2], $0x2000, s8, s13, $0x20;
	[tilespmem:$0x8080] =	vst v63  }
.LBB1_5:
0x14: {  	s14 =	sadd.s32 $0x1, s9  }
0x15: {  	s12 =	sadd.s32 $0x1000, s10;
	s16 =	smov.u32 s10;
	p2 =	sgt.s32 s14, $0x19  }
0x16: {  	s16 =	smov.u32 @p2 s12  }
0x17: {  	s14 =	simm.s32 @p2 $0x0;
	p2 =	sgt.s32 s16, $0x3FFF  }
0x18: {  	s16 =	smov.u32 @p2 s2;
	p2 =	sne.s32 s11, s7  }
.Ltmp1:
0x19: {  	p1 =	slt.u32 s11, $0x2;
	(pc) =	sbr.rel @!p2 .LBB1_6-.Ltmp1, $4  }
0x1a: {  	s15 =	simm.s32 @!p1 $0x2  }
0x1b: {  	s13 =	smov.u32 s10;
	p0 =	por !p0, !p0;
	_ =	swait.ge @!p1 [sflag:s15], $0x2000  }
0x1c: {  	s12 =	smov.u32 s9;
	[sflag:s15] =	ssyncset.done @!p1 $0x0;
	s9 =	smov.u32 s14  }
0x1d: {  	s11 =	sadd.s32 $0x1, s11;
	[sflag:s15] =	ssyncadd.s32 @!p1 $0xFFFFE000;
	s10 =	smov.u32 s16  }
.LBB1_1:
0x1e: {  	p1 =	sge.u32 s11, s5  }
0x1f: {  	s31 =	sadd.s32 $0xFFFFFFFF, s11;
	s14 =	sxor.u32 @!p1 $0xFFFFFFFF, s11  }
0x20: {  	s15 =	sshll.u32 @!p1 s10, $0x9;
	s16 =	sshll.u32 @!p1 s9, $0x4;
	s17 =	simm.s32 @!p1 $0x1000  }
0x21: {  	s14 =	sshll.u32 @!p1 s14, $0xD;
	s16 =	sand.u32 @!p1 $0x1F0, s16;
	s15 =	sadd.s32 @!p1 s6, s15  }
0x22: {  	s14 =	sand.u32 @!p1 $0x2000, s14;
	s15 =	sadd.s32 @!p1 s16, s15;
	s16 =	simm.s32 @!p1 $0x40  }
0x23: {  	[tilespmem:s14], [sflag:$0x1] =	stream.strided.gather @!p1 [hbm4b:s15+s16], $0x2000, s17, s16, $0x38;
	[tilespmem:$0x8080] =	vst v63  }
0x24: {  	p1 =	sge.u32 s31, s5  }
.Ltmp2:
0x25: {  	_ = 	snop;
	(pc) =	sbr.rel @p1 .LBB1_5-.Ltmp2, $1  }
0x26: {  	_ =	sdelay $0x3  }
0x27: {  	s14 =	simm.s32 $0x1  }
0x28: {  	_ =	swait.ge [sflag:s4], $0x2000;
	s14 =	simm.s32 @!p0 $0x0  }
0x29: {  	[sflag:s4] =	ssyncset.done $0x0;
	s15 =	sshll.u32 s14, $0xD  }
0x2a: {  	[sflag:s4] =	ssyncadd.s32 $0xFFFFE000;
	s18 =	sor.u32 $0x20, s15  }
0x2b: {  	s14 =	smul.u32 $0x8100, s14;
	v3 =	vld [tilespmem:s18+$0x10]  }
0x2c: {  	s30 =	sand.u32 $0x1, s11;
	v2 =	vld [tilespmem:s18+$0xFFFFFFF0]  }
0x2d: {  	s15 =	smul.u32 $0x8100, s30;
	s14 =	sshrl.u32 s14, $0x2;
	v0 =	vld [tilespmem:s18+$0x0]  }
0x2e: {  	v1 =	vld [tilespmem:s18+$0xFFFFFFE0];
	s16 =	sor.u32 $0x4000, s14  }
0x2f: {  	s31 =	sshrl.u32 s15, $0x2;
	s15 =	sadd.s32 $0x0, s16  }
0x30: {  	s17 =	simm.s32 $0x4;
	s18 =	sadd.s32 $0x40, s18;
	s14 =	sor.u32 $0x4000, s31;
	[tilespmem:s15+$0x1830 ss:$0x81] =	vst.msk $0xffff, v3  }
.LBB1_3:
0x31: {  	v3 =	vld [tilespmem:s18+$0x10];
	p1 =	sne.s32 s17, $0x1FC;
	[tilespmem:s15+$0x810 ss:$0x81] =	vst.msk $0xffff, v2;
	s19 =	smov.u32 s17;
	s17 =	sadd.s32 $0x4, s17  }
.Ltmp3:
0x32: {  	v2 =	vld [tilespmem:s18+$0xFFFFFFF0];
	[tilespmem:s15+$0x1020 ss:$0x81] =	vst.msk $0xffff, v0;
	(pc) =	sbr.rel @p1 .LBB1_3-.Ltmp3, $4  }
0x33: {  	v0 =	vld [tilespmem:s18+$0x0];
	[tilespmem:s15+$0x0 ss:$0x81] =	vst.msk $0xffff, v1  }
0x34: {  	s15 =	sshra.s32 s19, $0x2;
	v1 =	vld [tilespmem:s18+$0xFFFFFFE0]  }
0x35: {  	s15 =	sadd.s32 s15, s16  }
0x36: {  	s18 =	sadd.s32 $0x40, s18;
	[tilespmem:s15+$0x1830 ss:$0x81] =	vst.msk $0xffff, v3  }
.Ltmp4:
0x37: {  	_ = 	snop;
	(pc) =	sbr.rel .LBB1_4-.Ltmp4, $1  }
0x38: {  	_ =	sdelay $0x3  }
.LBB1_6:
0x39: {  	_ =	sfence.sel $0x180000  }
0x3a: {  	s2 =	simm.s32 $0x1;
	[bflag:$0x0] =	sbarrier.arrive $0xFFFF  }
0x3b: {  	s31 =	simm.s32 $0x2;
	[sflag:s2] =	ssyncpa.u1 $0x1  }
0x3c: {  	[sflag:s31] =	ssyncpa.u1 $0x1  }
0x3d: {  	p0 =	sne.s32 s0, $0x0;
	_ =	strace $0x9000004A  }
0x3e: {  	s0 =	sadd.s32 @!p0 $0x100000, s1;
	[bflag:$0x2] =	sbarrier.arrive $0xFFFF  }
0x3f: {  	[sflag:s0] =	ssyncadd.tile.s32 @!p0 $0x1;
	_ =	shalt  }
.Lfunc_end1:
_tile_overlayer_lowered:
.L_overlay_start_2:
0x40: {  	(tag) =	ssettag $0x2  }
0x41: {  	s0 =	rddreg [dreg:$0x0];
	s2 =	stileid.u32  }
0x42: {  	s1 =	rddreg [dreg:$0x1];
	p0 =	sne.s32 s2, $0x0  }
0x43: {  	s3 =	rddreg [dreg:$0x2];
	[bflag:$0x3] =	sbarrier.arrive $0xFFFF;
	s2 =	simm.s32 @!p0 $0x1C01  }
0x44: {  	[timem:s3], [sflag:s2] =	dma.local @!p0 [hbm:s0], s1  }
0x45: {  	s0 =	simm.s32 @!p0 $0x1  }
0x46: {  	_ =	swait.ge @!p0 [sflag:s0], s1  }
0x47: {  	s1 =	ssub.s32 @!p0 $0x0, s1;
	[sflag:s0] =	ssyncset.done @!p0 $0x0  }
0x48: {  	[sflag:s0] =	ssyncadd.s32 @!p0 s1  }
0x49: {  	[bflag:$0x3] =	sbarrier.arrive $0xFFFF  }
0x4a: {  	_ =	shalt  }

</sc_bundles>
